<compile_context>
chip_gen: v7x
topology: tpu7x:2x2x1
jax: 0.10.2.dev20260603
libtpu: 0.0.44.dev20260713+nightly
codegen_flags: <defaults>
</compile_context>

<pallas_src>
import functools

import jax
import jax.numpy as jnp
from jax import lax
from jax.experimental import pallas as pl
from jax.experimental.pallas import tpu as pltpu
from jax.experimental.pallas import tpu_sc as plsc

N = 100000
D = 128
H = 64
G = 512


_BN = 16384
_NB = -(-N // _BN)

_OUT_CONST = -4.2433421


def _mlp_body(b2_ref, x_ref, w1t_ref, b1c_ref, w2t_ref, out_ref):
    xT = x_ref[...].T
    hT = jnp.dot(w1t_ref[...], xT, preferred_element_type=jnp.float32)
    hT = hT + b1c_ref[...]
    hT = hT * (1.0 / (1.0 + jnp.exp(-hT)))
    atomT = jnp.dot(w2t_ref[...], hT, preferred_element_type=jnp.float32)
    out_ref[...] = (atomT + (b2_ref[0] + _OUT_CONST)).reshape(_BN)


def _mlp_call(x, W1t, b1c, W2t, b2):
    return pl.pallas_call(
        _mlp_body,
        grid=(_NB,),
        in_specs=[
            pl.BlockSpec(memory_space=pltpu.SMEM),
            pl.BlockSpec((_BN, D), lambda i: (i, 0)),
            pl.BlockSpec((H, D), lambda i: (0, 0)),
            pl.BlockSpec((H, 1), lambda i: (0, 0)),
            pl.BlockSpec((1, H), lambda i: (0, 0)),
        ],
        out_specs=pl.BlockSpec((_BN,), lambda i: (i,)),
        out_shape=jax.ShapeDtypeStruct((N,), jnp.float32),
    )(b2, x, W1t, b1c, W2t)



_NTILES = 16
_CH = 6272
_CH_LAST = N - 15 * _CH
_NV_FULL = _CH // 16
_NV_LAST = _CH_LAST // 16
_GB = G // 16


def _segsum_body(vals_hbm, idx_hbm, out_hbm, val_v, idx_v, acc2, partial,
                 rows_idx, shared, sem_v, sem_i):
    cid = lax.axis_index("c")
    sid = lax.axis_index("s")
    on_core0 = cid == 0
    lanes = lax.iota(jnp.int32, 16)

    @pl.when(jnp.logical_and(on_core0, sid < _NTILES - 1))
    def _copy_full():
        base = sid * _CH
        hv = pltpu.async_copy(vals_hbm.at[pl.ds(base, _CH)], val_v, sem_v)
        hi = pltpu.async_copy(idx_hbm.at[pl.ds(base, _CH)], idx_v, sem_i)
        hv.wait()
        hi.wait()

    @pl.when(jnp.logical_and(on_core0, sid == _NTILES - 1))
    def _copy_last():
        base = (_NTILES - 1) * _CH
        hv = pltpu.async_copy(vals_hbm.at[pl.ds(base, _CH_LAST)],
                              val_v.at[pl.ds(0, _CH_LAST)], sem_v)
        hi = pltpu.async_copy(idx_hbm.at[pl.ds(base, _CH_LAST)],
                              idx_v.at[pl.ds(0, _CH_LAST)], sem_i)
        hv.wait()
        hi.wait()

    @pl.when(on_core0)
    def _work():
        zv = jnp.zeros((16,), jnp.float32)
        nvec = jnp.where(sid == _NTILES - 1, _NV_LAST, _NV_FULL)
        lo = jnp.min(idx_v[pl.ds(0, 16)])
        hi = jnp.max(idx_v[pl.ds((nvec - 1) * 16, 16)])
        lob = lo // 16
        hib = hi // 16 + 1

        def zero_p(j, _):
            partial[j, :] = zv
            return 0
        lax.fori_loop(0, _GB, zero_p, 0, unroll=4)

        def zero_row(r, _):
            def zero_col(j, _):
                acc2[r, pl.ds(j * 16, 16)] = zv
                return 0
            return lax.fori_loop(lob, hib, zero_col, 0)
        lax.fori_loop(0, 16, zero_row, 0, unroll=2)

        def scat(i, _):
            off = i * 16
            iv = idx_v[pl.ds(off, 16)]
            vv = val_v[pl.ds(off, 16)]
            plsc.addupdate_scatter(acc2, [lanes, iv], vv)
            return 0

        @pl.when(sid < _NTILES - 1)
        def _scat_full():
            lax.fori_loop(0, _NV_FULL, scat, 0, unroll=4)

        @pl.when(sid == _NTILES - 1)
        def _scat_last():
            lax.fori_loop(0, _NV_LAST, scat, 0, unroll=2)

        def red_col(j, _):
            def red_row(r, s):
                return s + acc2[r, pl.ds(j * 16, 16)]
            s = lax.fori_loop(0, 16, red_row, zv, unroll=4)
            partial[j, :] = s
            return 0
        lax.fori_loop(lob, hib, red_col, 0)

        rows_idx[pl.ds(0, 16)] = lanes
        rows_idx[pl.ds(16, 16)] = lanes + 16

        @pl.when(sid == 0)
        def _seed():
            pltpu.sync_copy(partial, shared)

    @pl.when(on_core0)
    def _bar1():
        plsc.subcore_barrier()

    @pl.when(jnp.logical_and(on_core0, sid > 0))
    def _accum():
        pltpu.sync_copy(partial, shared.at[rows_idx], add=True)

    @pl.when(on_core0)
    def _bar2():
        plsc.subcore_barrier()

    @pl.when(jnp.logical_and(on_core0, sid == 0))
    def _out():
        pltpu.sync_copy(shared, out_hbm)


@functools.cache
def _segsum_call():
    return pl.kernel(
        _segsum_body,
        out_type=jax.ShapeDtypeStruct((_GB, 16), jnp.float32),
        mesh=plsc.VectorSubcoreMesh(core_axis_name="c", subcore_axis_name="s"),
        compiler_params=pltpu.CompilerParams(use_tc_tiling_on_sc=False,
                                             needs_layout_passes=False),
        scratch_types=[
            pltpu.VMEM((_CH,), jnp.float32),
            pltpu.VMEM((_CH,), jnp.int32),
            pltpu.VMEM((16, G), jnp.float32),
            pltpu.VMEM((_GB, 16), jnp.float32),
            pltpu.VMEM((32,), jnp.int32),
            pltpu.VMEM_SHARED((_GB, 16), jnp.float32),
            pltpu.SemaphoreType.DMA,
            pltpu.SemaphoreType.DMA,
        ],
    )


@jax.jit
def kernel(x_scalar, at_no, coords, batch_idx, W1, b1, W2, b2):
    del at_no, coords
    vals = _mlp_call(x_scalar, W1.T, b1.reshape(H, 1), W2.reshape(1, H),
                     b2.astype(jnp.float32).reshape(1))
    idx = batch_idx.astype(jnp.int32)
    seg = _segsum_call()(vals, idx)
    return seg.reshape(G, 1)

# --- scband reference (transcript-rebuilt; emitter-appended) ---
"""Pipeline reference for scband-scalar-out-85495618994354 (READ-ONLY COPY).

The authoritative reference and input builder live on the scoring server;
editing this copy changes nothing except your own understanding.
"""

import jax, jax.numpy as jnp
import numpy as np

N = 100000
D = 128
H = 64
O = 1
G = 512


def setup_inputs(seed: int = 0) -> dict:
    key = jax.random.key(seed)
    k1, k2, k3, k4, k5, k6 = jax.random.split(key, 6)
    x_scalar = jax.random.normal(k1, (N, D), dtype=jnp.float32)
    at_no = jax.random.randint(k2, (N,), 0, 100, dtype=jnp.int64)
    coords = jax.random.normal(k3, (N, 3), dtype=jnp.float32)
    batch_idx = jnp.sort(jax.random.randint(k4, (N,), 0, G, dtype=jnp.int64))
    # learned params (Linear weights, zero-init biases per module's __init__)
    W1 = jax.random.normal(k5, (D, H), dtype=jnp.float32) * (1.0 / np.sqrt(D))
    b1 = jnp.zeros((H,), dtype=jnp.float32)
    W2 = jax.random.normal(k6, (H, O), dtype=jnp.float32) * (1.0 / np.sqrt(H))
    b2 = jnp.zeros((O,), dtype=jnp.float32)
    return {"x_scalar": x_scalar, "at_no": at_no, "coords": coords, "batch_idx": batch_idx,
            "W1": W1, "b1": b1, "W2": W2, "b2": b2}


def reference(x_scalar, at_no, coords, batch_idx, W1, b1, W2, b2):
    # out_mlp: Linear(D->H) -> SiLU -> Linear(H->1)
    h = x_scalar @ W1 + b1
    h = jax.nn.silu(h)
    atom_out = h @ W2 + b2 - 4.2433421
    # scatter(atom_out, batch_idx, dim=0, reduce='sum')
    res = jax.ops.segment_sum(atom_out, batch_idx, num_segments=G)
    return res

if __name__ == "__main__":
    import jax
    _d = setup_inputs()
    print(jax.jit(kernel)(*tuple(_d.values())))

</pallas_src>

<mosaic_0001>
#map = affine_map<(d0, d1) -> (0)>
#map1 = affine_map<(d0, d1) -> (0, 0)>
module attributes {stable_mosaic.version = 14 : i64} {
  func.func @_segsum_body(%arg0: i32, %arg1: i32, %arg2: memref<100000xf32, #tpu.memory_space<hbm>>, %arg3: memref<100000xi32, #tpu.memory_space<hbm>>, %arg4: memref<32x16xf32, #tpu.memory_space<hbm>>, %arg5: memref<6272xf32, #tpu.memory_space<vmem>>, %arg6: memref<6272xi32, #tpu.memory_space<vmem>>, %arg7: memref<16x512xf32, #tpu.memory_space<vmem>>, %arg8: memref<32x16xf32, #tpu.memory_space<vmem>>, %arg9: memref<32xi32, #tpu.memory_space<vmem>>, %arg10: memref<32x16xf32, #tpu.memory_space<vmem_shared>>, %arg11: memref<!tpu.dma_semaphore, #tpu.memory_space<semaphore_mem>>, %arg12: memref<!tpu.dma_semaphore, #tpu.memory_space<semaphore_mem>>) attributes {dimension_semantics = [#tpu.dimension_semantics<core_parallel>, #tpu.dimension_semantics<subcore_parallel>], iteration_bounds = array<i64: 2, 16>, scalar_prefetch = 0 : i64, scratch_operands = 8 : i64, tpu.core_type = #tpu.core_type<sc_vector_subcore>, window_params = [{transform_indices = #map}, {transform_indices = #map}, {transform_indices = #map1}]} {
    %eq3A = arith.constant 0 : i32
    %eq3A_0 = arith.cmpi eq, %arg0, %eq3A : i32
    %iota3A = tpu.iota {dimensions = array<i32: 0>} : vector<16xi32>
    %lt3A = arith.constant 15 : i32
    %lt3A_1 = arith.cmpi slt, %arg1, %lt3A : i32
    %and3A = arith.andi %eq3A_0, %lt3A_1 : i1
    %convert_element_type3A = arith.extui %and3A : i1 to i32
    %cond3A = arith.constant 0 : i32
    %cond3A_2 = arith.cmpi ne, %convert_element_type3A, %cond3A : i32
    scf.if %cond3A_2 {
      %mul3A = arith.constant 6272 : i32
      %mul3A_29 = arith.muli %arg1, %mul3A : i32
      %dma_start3A = tpu.memref_slice %arg2[%mul3A_29] : memref<100000xf32, #tpu.memory_space<hbm>> -> memref<6272xf32, #tpu.memory_space<hbm>>
      %dma_start3A_30 = tpu.memref_slice %arg2[%mul3A_29] : memref<100000xf32, #tpu.memory_space<hbm>> -> memref<6272xf32, #tpu.memory_space<hbm>>
      tpu.enqueue_dma source(%dma_start3A_30 : memref<6272xf32, #tpu.memory_space<hbm>>) target(%arg5 : memref<6272xf32, #tpu.memory_space<vmem>>) target_semaphore(%arg11 : memref<!tpu.dma_semaphore, #tpu.memory_space<semaphore_mem>>)
      %dma_start3A_31 = tpu.memref_slice %arg3[%mul3A_29] : memref<100000xi32, #tpu.memory_space<hbm>> -> memref<6272xi32, #tpu.memory_space<hbm>>
      %dma_start3A_32 = tpu.memref_slice %arg3[%mul3A_29] : memref<100000xi32, #tpu.memory_space<hbm>> -> memref<6272xi32, #tpu.memory_space<hbm>>
      tpu.enqueue_dma source(%dma_start3A_32 : memref<6272xi32, #tpu.memory_space<hbm>>) target(%arg6 : memref<6272xi32, #tpu.memory_space<vmem>>) target_semaphore(%arg12 : memref<!tpu.dma_semaphore, #tpu.memory_space<semaphore_mem>>)
      %dma_wait3A = tpu.memref_slice %arg2[%mul3A_29] : memref<100000xf32, #tpu.memory_space<hbm>> -> memref<6272xf32, #tpu.memory_space<hbm>>
      %dma_wait3A_33 = tpu.memref_slice %arg2[%mul3A_29] : memref<100000xf32, #tpu.memory_space<hbm>> -> memref<6272xf32, #tpu.memory_space<hbm>>
      tpu.wait_dma2 semaphore(%arg11 : memref<!tpu.dma_semaphore, #tpu.memory_space<semaphore_mem>>) src(%dma_wait3A_33 : memref<6272xf32, #tpu.memory_space<hbm>>) dst(%arg5 : memref<6272xf32, #tpu.memory_space<vmem>>)
      %dma_wait3A_34 = tpu.memref_slice %arg3[%mul3A_29] : memref<100000xi32, #tpu.memory_space<hbm>> -> memref<6272xi32, #tpu.memory_space<hbm>>
      %dma_wait3A_35 = tpu.memref_slice %arg3[%mul3A_29] : memref<100000xi32, #tpu.memory_space<hbm>> -> memref<6272xi32, #tpu.memory_space<hbm>>
      tpu.wait_dma2 semaphore(%arg12 : memref<!tpu.dma_semaphore, #tpu.memory_space<semaphore_mem>>) src(%dma_wait3A_35 : memref<6272xi32, #tpu.memory_space<hbm>>) dst(%arg6 : memref<6272xi32, #tpu.memory_space<vmem>>)
    } else {
    }
    %eq3A_3 = arith.constant 15 : i32
    %eq3A_4 = arith.cmpi eq, %arg1, %eq3A_3 : i32
    %and3A_5 = arith.andi %eq3A_0, %eq3A_4 : i1
    %convert_element_type3A_6 = arith.extui %and3A_5 : i1 to i32
    %cond3A_7 = arith.constant 0 : i32
    %cond3A_8 = arith.cmpi ne, %convert_element_type3A_6, %cond3A_7 : i32
    scf.if %cond3A_8 {
      %dma_start3A = arith.constant 0 : i32
      %dma_start3A_29 = tpu.memref_slice %arg5[%dma_start3A] : memref<6272xf32, #tpu.memory_space<vmem>> -> memref<5920xf32, #tpu.memory_space<vmem>>
      %dma_start3A_30 = arith.constant 94080 : i32
      %dma_start3A_31 = tpu.memref_slice %arg2[%dma_start3A_30] : memref<100000xf32, #tpu.memory_space<hbm>> -> memref<5920xf32, #tpu.memory_space<hbm>>
      %dma_start3A_32 = arith.constant 0 : i32
      %dma_start3A_33 = tpu.memref_slice %arg5[%dma_start3A_32] : memref<6272xf32, #tpu.memory_space<vmem>> -> memref<5920xf32, #tpu.memory_space<vmem>>
      %dma_start3A_34 = arith.constant 94080 : i32
      %dma_start3A_35 = tpu.memref_slice %arg2[%dma_start3A_34] : memref<100000xf32, #tpu.memory_space<hbm>> -> memref<5920xf32, #tpu.memory_space<hbm>>
      tpu.enqueue_dma source(%dma_start3A_35 : memref<5920xf32, #tpu.memory_space<hbm>>) target(%dma_start3A_33 : memref<5920xf32, #tpu.memory_space<vmem>>) target_semaphore(%arg11 : memref<!tpu.dma_semaphore, #tpu.memory_space<semaphore_mem>>)
      %dma_start3A_36 = arith.constant 0 : i32
      %dma_start3A_37 = tpu.memref_slice %arg6[%dma_start3A_36] : memref<6272xi32, #tpu.memory_space<vmem>> -> memref<5920xi32, #tpu.memory_space<vmem>>
      %dma_start3A_38 = arith.constant 94080 : i32
      %dma_start3A_39 = tpu.memref_slice %arg3[%dma_start3A_38] : memref<100000xi32, #tpu.memory_space<hbm>> -> memref<5920xi32, #tpu.memory_space<hbm>>
      %dma_start3A_40 = arith.constant 0 : i32
      %dma_start3A_41 = tpu.memref_slice %arg6[%dma_start3A_40] : memref<6272xi32, #tpu.memory_space<vmem>> -> memref<5920xi32, #tpu.memory_space<vmem>>
      %dma_start3A_42 = arith.constant 94080 : i32
      %dma_start3A_43 = tpu.memref_slice %arg3[%dma_start3A_42] : memref<100000xi32, #tpu.memory_space<hbm>> -> memref<5920xi32, #tpu.memory_space<hbm>>
      tpu.enqueue_dma source(%dma_start3A_43 : memref<5920xi32, #tpu.memory_space<hbm>>) target(%dma_start3A_41 : memref<5920xi32, #tpu.memory_space<vmem>>) target_semaphore(%arg12 : memref<!tpu.dma_semaphore, #tpu.memory_space<semaphore_mem>>)
      %dma_wait3A = arith.constant 0 : i32
      %dma_wait3A_44 = tpu.memref_slice %arg5[%dma_wait3A] : memref<6272xf32, #tpu.memory_space<vmem>> -> memref<5920xf32, #tpu.memory_space<vmem>>
      %dma_wait3A_45 = arith.constant 94080 : i32
      %dma_wait3A_46 = tpu.memref_slice %arg2[%dma_wait3A_45] : memref<100000xf32, #tpu.memory_space<hbm>> -> memref<5920xf32, #tpu.memory_space<hbm>>
      %dma_wait3A_47 = arith.constant 0 : i32
      %dma_wait3A_48 = tpu.memref_slice %arg5[%dma_wait3A_47] : memref<6272xf32, #tpu.memory_space<vmem>> -> memref<5920xf32, #tpu.memory_space<vmem>>
      %dma_wait3A_49 = arith.constant 94080 : i32
      %dma_wait3A_50 = tpu.memref_slice %arg2[%dma_wait3A_49] : memref<100000xf32, #tpu.memory_space<hbm>> -> memref<5920xf32, #tpu.memory_space<hbm>>
      tpu.wait_dma2 semaphore(%arg11 : memref<!tpu.dma_semaphore, #tpu.memory_space<semaphore_mem>>) src(%dma_wait3A_50 : memref<5920xf32, #tpu.memory_space<hbm>>) dst(%dma_wait3A_48 : memref<5920xf32, #tpu.memory_space<vmem>>)
      %dma_wait3A_51 = arith.constant 0 : i32
      %dma_wait3A_52 = tpu.memref_slice %arg6[%dma_wait3A_51] : memref<6272xi32, #tpu.memory_space<vmem>> -> memref<5920xi32, #tpu.memory_space<vmem>>
      %dma_wait3A_53 = arith.constant 94080 : i32
      %dma_wait3A_54 = tpu.memref_slice %arg3[%dma_wait3A_53] : memref<100000xi32, #tpu.memory_space<hbm>> -> memref<5920xi32, #tpu.memory_space<hbm>>
      %dma_wait3A_55 = arith.constant 0 : i32
      %dma_wait3A_56 = tpu.memref_slice %arg6[%dma_wait3A_55] : memref<6272xi32, #tpu.memory_space<vmem>> -> memref<5920xi32, #tpu.memory_space<vmem>>
      %dma_wait3A_57 = arith.constant 94080 : i32
      %dma_wait3A_58 = tpu.memref_slice %arg3[%dma_wait3A_57] : memref<100000xi32, #tpu.memory_space<hbm>> -> memref<5920xi32, #tpu.memory_space<hbm>>
      tpu.wait_dma2 semaphore(%arg12 : memref<!tpu.dma_semaphore, #tpu.memory_space<semaphore_mem>>) src(%dma_wait3A_58 : memref<5920xi32, #tpu.memory_space<hbm>>) dst(%dma_wait3A_56 : memref<5920xi32, #tpu.memory_space<vmem>>)
    } else {
    }
    %convert_element_type3A_9 = arith.extui %eq3A_0 : i1 to i32
    %cond3A_10 = arith.constant 0 : i32
    %cond3A_11 = arith.cmpi ne, %convert_element_type3A_9, %cond3A_10 : i32
    scf.if %cond3A_11 {
      %broadcast_in_dim3A = arith.constant 0.000000e+00 : f32
      %broadcast_in_dim3A_29 = vector.broadcast %broadcast_in_dim3A : f32 to vector<16xf32>
      %eq3A_30 = arith.constant 15 : i32
      %eq3A_31 = arith.cmpi eq, %arg1, %eq3A_30 : i32
      %jit3A = arith.constant 370 : i32
      %jit3A_32 = arith.constant 392 : i32
      %select_n3A = arith.select %eq3A_31, %jit3A, %jit3A_32 : i32
      %get3A = arith.constant 0 : index
      %get3A_33 = tpu.vector_load %arg6[%get3A] {strides = array<i32>} : memref<6272xi32, #tpu.memory_space<vmem>>, vector<16xi32>,
      %reduce_min3A = arith.constant true
      %reduce_min3A_34 = vector.broadcast %reduce_min3A : i1 to vector<16xi1>
      %reduce_min3A_35 = arith.constant -2147483648 : i32
      %reduce_min3A_36 = vector.broadcast %reduce_min3A_35 : i32 to vector<16xi32>
      %reduce_min3A_37 = arith.xori %get3A_33, %reduce_min3A_36 : vector<16xi32>
      %reduce_min3A_38 = tpu.scan <min>, %reduce_min3A_37 masked %reduce_min3A_34 : vector<16xi32>, vector<16xi1> -> vector<16xi32>
      %reduce_min3A_39 = arith.xori %reduce_min3A_38, %reduce_min3A_36 : vector<16xi32>
      %reduce_min3A_40 = vector.extract %reduce_min3A_39[15] : i32 from vector<16xi32>
      %sub3A = arith.constant 1 : i32
      %sub3A_41 = arith.subi %select_n3A, %sub3A : i32
      %mul3A = arith.constant 16 : i32
      %mul3A_42 = arith.muli %sub3A_41, %mul3A : i32
      %get3A_43 = arith.index_cast %mul3A_42 : i32 to index
      %get3A_44 = tpu.vector_load %arg6[%get3A_43] {strides = array<i32>} : memref<6272xi32, #tpu.memory_space<vmem>>, vector<16xi32>,
      %reduce_max3A = arith.constant true
      %reduce_max3A_45 = vector.broadcast %reduce_max3A : i1 to vector<16xi1>
      %reduce_max3A_46 = arith.constant -2147483648 : i32
      %reduce_max3A_47 = vector.broadcast %reduce_max3A_46 : i32 to vector<16xi32>
      %reduce_max3A_48 = arith.xori %get3A_44, %reduce_max3A_47 : vector<16xi32>
      %reduce_max3A_49 = tpu.scan <max>, %reduce_max3A_48 masked %reduce_max3A_45 : vector<16xi32>, vector<16xi1> -> vector<16xi32>
      %reduce_max3A_50 = arith.xori %reduce_max3A_49, %reduce_max3A_47 : vector<16xi32>
      %reduce_max3A_51 = vector.extract %reduce_max3A_50[15] : i32 from vector<16xi32>
      %jit3A_52 = arith.constant 16 : i32
      %div3A = arith.divsi %reduce_min3A_40, %jit3A_52 : i32
      %sign3A = arith.constant 0 : i32
      %sign3A_53 = arith.cmpi sgt, %reduce_min3A_40, %sign3A : i32
      %sign3A_54 = arith.extui %sign3A_53 : i1 to i32
      %sign3A_55 = arith.constant 0 : i32
      %sign3A_56 = arith.cmpi slt, %reduce_min3A_40, %sign3A_55 : i32
      %sign3A_57 = arith.extui %sign3A_56 : i1 to i32
      %sign3A_58 = arith.subi %sign3A_54, %sign3A_57 : i32
      %sign3A_59 = arith.constant 0 : i32
      %sign3A_60 = arith.cmpi sgt, %jit3A_52, %sign3A_59 : i32
      %sign3A_61 = arith.extui %sign3A_60 : i1 to i32
      %sign3A_62 = arith.constant 0 : i32
      %sign3A_63 = arith.cmpi slt, %jit3A_52, %sign3A_62 : i32
      %sign3A_64 = arith.extui %sign3A_63 : i1 to i32
      %sign3A_65 = arith.subi %sign3A_61, %sign3A_64 : i32
      %ne3A = arith.cmpi ne, %sign3A_58, %sign3A_65 : i32
      %rem3A = arith.remsi %reduce_min3A_40, %jit3A_52 : i32
      %ne3A_66 = arith.constant 0 : i32
      %ne3A_67 = arith.cmpi ne, %rem3A, %ne3A_66 : i32
      %and3A_68 = arith.andi %ne3A, %ne3A_67 : i1
      %sub3A_69 = arith.constant 1 : i32
      %sub3A_70 = arith.subi %div3A, %sub3A_69 : i32
      %select_n3A_71 = arith.select %and3A_68, %sub3A_70, %div3A : i32
      %jit3A_72 = arith.constant 16 : i32
      %div3A_73 = arith.divsi %reduce_max3A_51, %jit3A_72 : i32
      %sign3A_74 = arith.constant 0 : i32
      %sign3A_75 = arith.cmpi sgt, %reduce_max3A_51, %sign3A_74 : i32
      %sign3A_76 = arith.extui %sign3A_75 : i1 to i32
      %sign3A_77 = arith.constant 0 : i32
      %sign3A_78 = arith.cmpi slt, %reduce_max3A_51, %sign3A_77 : i32
      %sign3A_79 = arith.extui %sign3A_78 : i1 to i32
      %sign3A_80 = arith.subi %sign3A_76, %sign3A_79 : i32
      %sign3A_81 = arith.constant 0 : i32
      %sign3A_82 = arith.cmpi sgt, %jit3A_72, %sign3A_81 : i32
      %sign3A_83 = arith.extui %sign3A_82 : i1 to i32
      %sign3A_84 = arith.constant 0 : i32
      %sign3A_85 = arith.cmpi slt, %jit3A_72, %sign3A_84 : i32
      %sign3A_86 = arith.extui %sign3A_85 : i1 to i32
      %sign3A_87 = arith.subi %sign3A_83, %sign3A_86 : i32
      %ne3A_88 = arith.cmpi ne, %sign3A_80, %sign3A_87 : i32
      %rem3A_89 = arith.remsi %reduce_max3A_51, %jit3A_72 : i32
      %ne3A_90 = arith.constant 0 : i32
      %ne3A_91 = arith.cmpi ne, %rem3A_89, %ne3A_90 : i32
      %and3A_92 = arith.andi %ne3A_88, %ne3A_91 : i1
      %sub3A_93 = arith.constant 1 : i32
      %sub3A_94 = arith.subi %div3A_73, %sub3A_93 : i32
      %select_n3A_95 = arith.select %and3A_92, %sub3A_94, %div3A_73 : i32
      %add3A = arith.constant 1 : i32
      %add3A_96 = arith.addi %select_n3A_95, %add3A : i32
      %scan3A = arith.constant 0 : i32
      %scan3A_97 = arith.constant 0 : i32
      %scan3A_98 = arith.constant 32 : i32
      %scan3A_99 = arith.addi %scan3A_97, %scan3A_98 : i32
      %scan3A_100 = arith.constant 4 : i32
      %scan3A_101 = scf.for %scan3A_141 = %scan3A_97 to %scan3A_99 step %scan3A_100 iter_args(%scan3A_142 = %scan3A) -> (i32)  : i32 {
        %swap3A_143 = arith.index_cast %scan3A_141 : i32 to index
        %swap3A_144 = arith.constant 0 : index
        %swap3A_145 = tpu.vector_load %arg8[%swap3A_143, %swap3A_144] {strides = array<i32>} : memref<32x16xf32, #tpu.memory_space<vmem>>, vector<16xf32>,
        tpu.vector_store %arg8[%swap3A_143, %swap3A_144], %broadcast_in_dim3A_29 {strides = array<i32>} : memref<32x16xf32, #tpu.memory_space<vmem>>, vector<16xf32>,
        %scan3A_146 = arith.constant 0 : i32
        %scan3A_147 = arith.constant 1 : i32
        %scan3A_148 = arith.addi %scan3A_141, %scan3A_147 : i32
        %swap3A_149 = arith.index_cast %scan3A_148 : i32 to index
        %swap3A_150 = arith.constant 0 : index
        %swap3A_151 = tpu.vector_load %arg8[%swap3A_149, %swap3A_150] {strides = array<i32>} : memref<32x16xf32, #tpu.memory_space<vmem>>, vector<16xf32>,
        tpu.vector_store %arg8[%swap3A_149, %swap3A_150], %broadcast_in_dim3A_29 {strides = array<i32>} : memref<32x16xf32, #tpu.memory_space<vmem>>, vector<16xf32>,
        %scan3A_152 = arith.constant 0 : i32
        %scan3A_153 = arith.constant 2 : i32
        %scan3A_154 = arith.addi %scan3A_141, %scan3A_153 : i32
        %swap3A_155 = arith.index_cast %scan3A_154 : i32 to index
        %swap3A_156 = arith.constant 0 : index
        %swap3A_157 = tpu.vector_load %arg8[%swap3A_155, %swap3A_156] {strides = array<i32>} : memref<32x16xf32, #tpu.memory_space<vmem>>, vector<16xf32>,
        tpu.vector_store %arg8[%swap3A_155, %swap3A_156], %broadcast_in_dim3A_29 {strides = array<i32>} : memref<32x16xf32, #tpu.memory_space<vmem>>, vector<16xf32>,
        %scan3A_158 = arith.constant 0 : i32
        %scan3A_159 = arith.constant 3 : i32
        %scan3A_160 = arith.addi %scan3A_141, %scan3A_159 : i32
        %swap3A_161 = arith.index_cast %scan3A_160 : i32 to index
        %swap3A_162 = arith.constant 0 : index
        %swap3A_163 = tpu.vector_load %arg8[%swap3A_161, %swap3A_162] {strides = array<i32>} : memref<32x16xf32, #tpu.memory_space<vmem>>, vector<16xf32>,
        tpu.vector_store %arg8[%swap3A_161, %swap3A_162], %broadcast_in_dim3A_29 {strides = array<i32>} : memref<32x16xf32, #tpu.memory_space<vmem>>, vector<16xf32>,
        %scan3A_164 = arith.constant 0 : i32
        scf.yield %scan3A_164 : i32
      }
      %scan3A_102 = arith.constant 32 : i32
      %scan3A_103 = arith.constant 0 : i32
      %scan3A_104 = arith.constant 0 : i32
      %scan3A_105 = arith.constant 16 : i32
      %scan3A_106 = arith.addi %scan3A_104, %scan3A_105 : i32
      %scan3A_107 = arith.constant 2 : i32
      %scan3A_108 = scf.for %scan3A_141 = %scan3A_104 to %scan3A_106 step %scan3A_107 iter_args(%scan3A_142 = %scan3A_103) -> (i32)  : i32 {
        %while3A_143 = arith.constant 0 : i32
        %while3A_144 = arith.subi %add3A_96, %select_n3A_71 : i32
        %while3A_145 = arith.addi %select_n3A_71, %while3A_144 : i32
        %while3A_146 = arith.constant 1 : i32
        %while3A_147 = arith.divsi %while3A_144, %while3A_146 : i32
        %while3A_148 = arith.muli %while3A_147, %while3A_146 : i32
        %while3A_149 = arith.addi %select_n3A_71, %while3A_148 : i32
        %while3A_150 = arith.constant 1 : i32
        %while3A_151 = scf.for %while3A_167 = %select_n3A_71 to %while3A_149 step %while3A_150 iter_args(%while3A_168 = %while3A_143) -> (i32)  : i32 {
          %mul3A_169 = arith.constant 16 : i32
          %mul3A_170 = arith.muli %while3A_167, %mul3A_169 : i32
          %swap3A_171 = arith.index_cast %scan3A_141 : i32 to index
          %swap3A_172 = arith.index_cast %mul3A_170 : i32 to index
          %swap3A_173 = tpu.vector_load %arg7[%swap3A_171, %swap3A_172] {strides = array<i32>} : memref<16x512xf32, #tpu.memory_space<vmem>>, vector<16xf32>,
          tpu.vector_store %arg7[%swap3A_171, %swap3A_172], %broadcast_in_dim3A_29 {strides = array<i32>} : memref<16x512xf32, #tpu.memory_space<vmem>>, vector<16xf32>,
          %while3A_174 = arith.constant 0 : i32
          scf.yield %while3A_174 : i32
        }
        %while3A_152 = arith.constant 1 : i32
        %while3A_153 = scf.for %while3A_167 = %while3A_149 to %while3A_145 step %while3A_152 iter_args(%while3A_168 = %while3A_151) -> (i32)  : i32 {
          %mul3A_169 = arith.constant 16 : i32
          %mul3A_170 = arith.muli %while3A_167, %mul3A_169 : i32
          %swap3A_171 = arith.index_cast %scan3A_141 : i32 to index
          %swap3A_172 = arith.index_cast %mul3A_170 : i32 to index
          %swap3A_173 = tpu.vector_load %arg7[%swap3A_171, %swap3A_172] {strides = array<i32>} : memref<16x512xf32, #tpu.memory_space<vmem>>, vector<16xf32>,
          tpu.vector_store %arg7[%swap3A_171, %swap3A_172], %broadcast_in_dim3A_29 {strides = array<i32>} : memref<16x512xf32, #tpu.memory_space<vmem>>, vector<16xf32>,
          %while3A_174 = arith.constant 0 : i32
          scf.yield %while3A_174 : i32
        }
        %scan3A_154 = arith.constant 1 : i32
        %scan3A_155 = arith.addi %scan3A_141, %scan3A_154 : i32
        %while3A_156 = arith.constant 0 : i32
        %while3A_157 = arith.subi %add3A_96, %select_n3A_71 : i32
        %while3A_158 = arith.addi %select_n3A_71, %while3A_157 : i32
        %while3A_159 = arith.constant 1 : i32
        %while3A_160 = arith.divsi %while3A_157, %while3A_159 : i32
        %while3A_161 = arith.muli %while3A_160, %while3A_159 : i32
        %while3A_162 = arith.addi %select_n3A_71, %while3A_161 : i32
        %while3A_163 = arith.constant 1 : i32
        %while3A_164 = scf.for %while3A_167 = %select_n3A_71 to %while3A_162 step %while3A_163 iter_args(%while3A_168 = %while3A_156) -> (i32)  : i32 {
          %mul3A_169 = arith.constant 16 : i32
          %mul3A_170 = arith.muli %while3A_167, %mul3A_169 : i32
          %swap3A_171 = arith.index_cast %scan3A_155 : i32 to index
          %swap3A_172 = arith.index_cast %mul3A_170 : i32 to index
          %swap3A_173 = tpu.vector_load %arg7[%swap3A_171, %swap3A_172] {strides = array<i32>} : memref<16x512xf32, #tpu.memory_space<vmem>>, vector<16xf32>,
          tpu.vector_store %arg7[%swap3A_171, %swap3A_172], %broadcast_in_dim3A_29 {strides = array<i32>} : memref<16x512xf32, #tpu.memory_space<vmem>>, vector<16xf32>,
          %while3A_174 = arith.constant 0 : i32
          scf.yield %while3A_174 : i32
        }
        %while3A_165 = arith.constant 1 : i32
        %while3A_166 = scf.for %while3A_167 = %while3A_162 to %while3A_158 step %while3A_165 iter_args(%while3A_168 = %while3A_164) -> (i32)  : i32 {
          %mul3A_169 = arith.constant 16 : i32
          %mul3A_170 = arith.muli %while3A_167, %mul3A_169 : i32
          %swap3A_171 = arith.index_cast %scan3A_155 : i32 to index
          %swap3A_172 = arith.index_cast %mul3A_170 : i32 to index
          %swap3A_173 = tpu.vector_load %arg7[%swap3A_171, %swap3A_172] {strides = array<i32>} : memref<16x512xf32, #tpu.memory_space<vmem>>, vector<16xf32>,
          tpu.vector_store %arg7[%swap3A_171, %swap3A_172], %broadcast_in_dim3A_29 {strides = array<i32>} : memref<16x512xf32, #tpu.memory_space<vmem>>, vector<16xf32>,
          %while3A_174 = arith.constant 0 : i32
          scf.yield %while3A_174 : i32
        }
        scf.yield %while3A_166 : i32
      }
      %scan3A_109 = arith.constant 16 : i32
      %lt3A_110 = arith.constant 15 : i32
      %lt3A_111 = arith.cmpi slt, %arg1, %lt3A_110 : i32
      %convert_element_type3A_112 = arith.extui %lt3A_111 : i1 to i32
      %cond3A_113 = arith.constant 0 : i32
      %cond3A_114 = arith.cmpi ne, %convert_element_type3A_112, %cond3A_113 : i32
      scf.if %cond3A_114 {
        %scan3A_141 = arith.constant 0 : i32
        %scan3A_142 = arith.constant 0 : i32
        %scan3A_143 = arith.constant 392 : i32
        %scan3A_144 = arith.addi %scan3A_142, %scan3A_143 : i32
        %scan3A_145 = arith.constant 4 : i32
        %scan3A_146 = scf.for %scan3A_148 = %scan3A_142 to %scan3A_144 step %scan3A_145 iter_args(%scan3A_149 = %scan3A_141) -> (i32)  : i32 {
          %mul3A_150 = arith.constant 16 : i32
          %mul3A_151 = arith.muli %scan3A_148, %mul3A_150 : i32
          %get3A_152 = arith.index_cast %mul3A_151 : i32 to index
          %get3A_153 = tpu.vector_load %arg6[%get3A_152] {strides = array<i32>} : memref<6272xi32, #tpu.memory_space<vmem>>, vector<16xi32>,
          %get3A_154 = arith.index_cast %mul3A_151 : i32 to index
          %get3A_155 = tpu.vector_load %arg5[%get3A_154] {strides = array<i32>} : memref<6272xf32, #tpu.memory_space<vmem>>, vector<16xf32>,
          tpu.vector_store_idx %arg7[%iota3A, %get3A_153], %get3A_155 {add = true} : memref<16x512xf32, #tpu.memory_space<vmem>>[vector<16xi32>, vector<16xi32>], vector<16xf32>,
          %scan3A_156 = arith.constant 0 : i32
          %scan3A_157 = arith.constant 1 : i32
          %scan3A_158 = arith.addi %scan3A_148, %scan3A_157 : i32
          %mul3A_159 = arith.constant 16 : i32
          %mul3A_160 = arith.muli %scan3A_158, %mul3A_159 : i32
          %get3A_161 = arith.index_cast %mul3A_160 : i32 to index
          %get3A_162 = tpu.vector_load %arg6[%get3A_161] {strides = array<i32>} : memref<6272xi32, #tpu.memory_space<vmem>>, vector<16xi32>,
          %get3A_163 = arith.index_cast %mul3A_160 : i32 to index
          %get3A_164 = tpu.vector_load %arg5[%get3A_163] {strides = array<i32>} : memref<6272xf32, #tpu.memory_space<vmem>>, vector<16xf32>,
          tpu.vector_store_idx %arg7[%iota3A, %get3A_162], %get3A_164 {add = true} : memref<16x512xf32, #tpu.memory_space<vmem>>[vector<16xi32>, vector<16xi32>], vector<16xf32>,
          %scan3A_165 = arith.constant 0 : i32
          %scan3A_166 = arith.constant 2 : i32
          %scan3A_167 = arith.addi %scan3A_148, %scan3A_166 : i32
          %mul3A_168 = arith.constant 16 : i32
          %mul3A_169 = arith.muli %scan3A_167, %mul3A_168 : i32
          %get3A_170 = arith.index_cast %mul3A_169 : i32 to index
          %get3A_171 = tpu.vector_load %arg6[%get3A_170] {strides = array<i32>} : memref<6272xi32, #tpu.memory_space<vmem>>, vector<16xi32>,
          %get3A_172 = arith.index_cast %mul3A_169 : i32 to index
          %get3A_173 = tpu.vector_load %arg5[%get3A_172] {strides = array<i32>} : memref<6272xf32, #tpu.memory_space<vmem>>, vector<16xf32>,
          tpu.vector_store_idx %arg7[%iota3A, %get3A_171], %get3A_173 {add = true} : memref<16x512xf32, #tpu.memory_space<vmem>>[vector<16xi32>, vector<16xi32>], vector<16xf32>,
          %scan3A_174 = arith.constant 0 : i32
          %scan3A_175 = arith.constant 3 : i32
          %scan3A_176 = arith.addi %scan3A_148, %scan3A_175 : i32
          %mul3A_177 = arith.constant 16 : i32
          %mul3A_178 = arith.muli %scan3A_176, %mul3A_177 : i32
          %get3A_179 = arith.index_cast %mul3A_178 : i32 to index
          %get3A_180 = tpu.vector_load %arg6[%get3A_179] {strides = array<i32>} : memref<6272xi32, #tpu.memory_space<vmem>>, vector<16xi32>,
          %get3A_181 = arith.index_cast %mul3A_178 : i32 to index
          %get3A_182 = tpu.vector_load %arg5[%get3A_181] {strides = array<i32>} : memref<6272xf32, #tpu.memory_space<vmem>>, vector<16xf32>,
          tpu.vector_store_idx %arg7[%iota3A, %get3A_180], %get3A_182 {add = true} : memref<16x512xf32, #tpu.memory_space<vmem>>[vector<16xi32>, vector<16xi32>], vector<16xf32>,
          %scan3A_183 = arith.constant 0 : i32
          scf.yield %scan3A_183 : i32
        }
        %scan3A_147 = arith.constant 392 : i32
      } else {
      }
      %eq3A_115 = arith.constant 15 : i32
      %eq3A_116 = arith.cmpi eq, %arg1, %eq3A_115 : i32
      %convert_element_type3A_117 = arith.extui %eq3A_116 : i1 to i32
      %cond3A_118 = arith.constant 0 : i32
      %cond3A_119 = arith.cmpi ne, %convert_element_type3A_117, %cond3A_118 : i32
      scf.if %cond3A_119 {
        %scan3A_141 = arith.constant 0 : i32
        %scan3A_142 = arith.constant 0 : i32
        %scan3A_143 = arith.constant 370 : i32
        %scan3A_144 = arith.addi %scan3A_142, %scan3A_143 : i32
        %scan3A_145 = arith.constant 2 : i32
        %scan3A_146 = scf.for %scan3A_148 = %scan3A_142 to %scan3A_144 step %scan3A_145 iter_args(%scan3A_149 = %scan3A_141) -> (i32)  : i32 {
          %mul3A_150 = arith.constant 16 : i32
          %mul3A_151 = arith.muli %scan3A_148, %mul3A_150 : i32
          %get3A_152 = arith.index_cast %mul3A_151 : i32 to index
          %get3A_153 = tpu.vector_load %arg6[%get3A_152] {strides = array<i32>} : memref<6272xi32, #tpu.memory_space<vmem>>, vector<16xi32>,
          %get3A_154 = arith.index_cast %mul3A_151 : i32 to index
          %get3A_155 = tpu.vector_load %arg5[%get3A_154] {strides = array<i32>} : memref<6272xf32, #tpu.memory_space<vmem>>, vector<16xf32>,
          tpu.vector_store_idx %arg7[%iota3A, %get3A_153], %get3A_155 {add = true} : memref<16x512xf32, #tpu.memory_space<vmem>>[vector<16xi32>, vector<16xi32>], vector<16xf32>,
          %scan3A_156 = arith.constant 0 : i32
          %scan3A_157 = arith.constant 1 : i32
          %scan3A_158 = arith.addi %scan3A_148, %scan3A_157 : i32
          %mul3A_159 = arith.constant 16 : i32
          %mul3A_160 = arith.muli %scan3A_158, %mul3A_159 : i32
          %get3A_161 = arith.index_cast %mul3A_160 : i32 to index
          %get3A_162 = tpu.vector_load %arg6[%get3A_161] {strides = array<i32>} : memref<6272xi32, #tpu.memory_space<vmem>>, vector<16xi32>,
          %get3A_163 = arith.index_cast %mul3A_160 : i32 to index
          %get3A_164 = tpu.vector_load %arg5[%get3A_163] {strides = array<i32>} : memref<6272xf32, #tpu.memory_space<vmem>>, vector<16xf32>,
          tpu.vector_store_idx %arg7[%iota3A, %get3A_162], %get3A_164 {add = true} : memref<16x512xf32, #tpu.memory_space<vmem>>[vector<16xi32>, vector<16xi32>], vector<16xf32>,
          %scan3A_165 = arith.constant 0 : i32
          scf.yield %scan3A_165 : i32
        }
        %scan3A_147 = arith.constant 370 : i32
      } else {
      }
      %while3A = arith.constant 0 : i32
      %while3A_120 = arith.subi %add3A_96, %select_n3A_71 : i32
      %while3A_121 = arith.addi %select_n3A_71, %while3A_120 : i32
      %while3A_122 = arith.constant 1 : i32
      %while3A_123 = arith.divsi %while3A_120, %while3A_122 : i32
      %while3A_124 = arith.muli %while3A_123, %while3A_122 : i32
      %while3A_125 = arith.addi %select_n3A_71, %while3A_124 : i32
      %while3A_126 = arith.constant 1 : i32
      %while3A_127 = scf.for %while3A_141 = %select_n3A_71 to %while3A_125 step %while3A_126 iter_args(%while3A_142 = %while3A) -> (i32)  : i32 {
        %scan3A_143 = arith.constant 0 : i32
        %scan3A_144 = arith.constant 16 : i32
        %scan3A_145 = arith.addi %scan3A_143, %scan3A_144 : i32
        %scan3A_146 = arith.constant 4 : i32
        %scan3A_147 = scf.for %scan3A_153 = %scan3A_143 to %scan3A_145 step %scan3A_146 iter_args(%scan3A_154 = %broadcast_in_dim3A_29) -> (vector<16xf32>)  : i32 {
          %mul3A_155 = arith.constant 16 : i32
          %mul3A_156 = arith.muli %while3A_141, %mul3A_155 : i32
          %get3A_157 = arith.index_cast %scan3A_153 : i32 to index
          %get3A_158 = arith.index_cast %mul3A_156 : i32 to index
          %get3A_159 = tpu.vector_load %arg7[%get3A_157, %get3A_158] {strides = array<i32>} : memref<16x512xf32, #tpu.memory_space<vmem>>, vector<16xf32>,
          %add3A_160 = arith.addf %scan3A_154, %get3A_159 : vector<16xf32>
          %scan3A_161 = arith.constant 1 : i32
          %scan3A_162 = arith.addi %scan3A_153, %scan3A_161 : i32
          %mul3A_163 = arith.constant 16 : i32
          %mul3A_164 = arith.muli %while3A_141, %mul3A_163 : i32
          %get3A_165 = arith.index_cast %scan3A_162 : i32 to index
          %get3A_166 = arith.index_cast %mul3A_164 : i32 to index
          %get3A_167 = tpu.vector_load %arg7[%get3A_165, %get3A_166] {strides = array<i32>} : memref<16x512xf32, #tpu.memory_space<vmem>>, vector<16xf32>,
          %add3A_168 = arith.addf %add3A_160, %get3A_167 : vector<16xf32>
          %scan3A_169 = arith.constant 2 : i32
          %scan3A_170 = arith.addi %scan3A_153, %scan3A_169 : i32
          %mul3A_171 = arith.constant 16 : i32
          %mul3A_172 = arith.muli %while3A_141, %mul3A_171 : i32
          %get3A_173 = arith.index_cast %scan3A_170 : i32 to index
          %get3A_174 = arith.index_cast %mul3A_172 : i32 to index
          %get3A_175 = tpu.vector_load %arg7[%get3A_173, %get3A_174] {strides = array<i32>} : memref<16x512xf32, #tpu.memory_space<vmem>>, vector<16xf32>,
          %add3A_176 = arith.addf %add3A_168, %get3A_175 : vector<16xf32>
          %scan3A_177 = arith.constant 3 : i32
          %scan3A_178 = arith.addi %scan3A_153, %scan3A_177 : i32
          %mul3A_179 = arith.constant 16 : i32
          %mul3A_180 = arith.muli %while3A_141, %mul3A_179 : i32
          %get3A_181 = arith.index_cast %scan3A_178 : i32 to index
          %get3A_182 = arith.index_cast %mul3A_180 : i32 to index
          %get3A_183 = tpu.vector_load %arg7[%get3A_181, %get3A_182] {strides = array<i32>} : memref<16x512xf32, #tpu.memory_space<vmem>>, vector<16xf32>,
          %add3A_184 = arith.addf %add3A_176, %get3A_183 : vector<16xf32>
          scf.yield %add3A_184 : vector<16xf32>
        }
        %scan3A_148 = arith.constant 16 : i32
        %swap3A_149 = arith.index_cast %while3A_141 : i32 to index
        %swap3A_150 = arith.constant 0 : index
        %swap3A_151 = tpu.vector_load %arg8[%swap3A_149, %swap3A_150] {strides = array<i32>} : memref<32x16xf32, #tpu.memory_space<vmem>>, vector<16xf32>,
        tpu.vector_store %arg8[%swap3A_149, %swap3A_150], %scan3A_147 {strides = array<i32>} : memref<32x16xf32, #tpu.memory_space<vmem>>, vector<16xf32>,
        %while3A_152 = arith.constant 0 : i32
        scf.yield %while3A_152 : i32
      }
      %while3A_128 = arith.constant 1 : i32
      %while3A_129 = scf.for %while3A_141 = %while3A_125 to %while3A_121 step %while3A_128 iter_args(%while3A_142 = %while3A_127) -> (i32)  : i32 {
        %scan3A_143 = arith.constant 0 : i32
        %scan3A_144 = arith.constant 16 : i32
        %scan3A_145 = arith.addi %scan3A_143, %scan3A_144 : i32
        %scan3A_146 = arith.constant 4 : i32
        %scan3A_147 = scf.for %scan3A_153 = %scan3A_143 to %scan3A_145 step %scan3A_146 iter_args(%scan3A_154 = %broadcast_in_dim3A_29) -> (vector<16xf32>)  : i32 {
          %mul3A_155 = arith.constant 16 : i32
          %mul3A_156 = arith.muli %while3A_141, %mul3A_155 : i32
          %get3A_157 = arith.index_cast %scan3A_153 : i32 to index
          %get3A_158 = arith.index_cast %mul3A_156 : i32 to index
          %get3A_159 = tpu.vector_load %arg7[%get3A_157, %get3A_158] {strides = array<i32>} : memref<16x512xf32, #tpu.memory_space<vmem>>, vector<16xf32>,
          %add3A_160 = arith.addf %scan3A_154, %get3A_159 : vector<16xf32>
          %scan3A_161 = arith.constant 1 : i32
          %scan3A_162 = arith.addi %scan3A_153, %scan3A_161 : i32
          %mul3A_163 = arith.constant 16 : i32
          %mul3A_164 = arith.muli %while3A_141, %mul3A_163 : i32
          %get3A_165 = arith.index_cast %scan3A_162 : i32 to index
          %get3A_166 = arith.index_cast %mul3A_164 : i32 to index
          %get3A_167 = tpu.vector_load %arg7[%get3A_165, %get3A_166] {strides = array<i32>} : memref<16x512xf32, #tpu.memory_space<vmem>>, vector<16xf32>,
          %add3A_168 = arith.addf %add3A_160, %get3A_167 : vector<16xf32>
          %scan3A_169 = arith.constant 2 : i32
          %scan3A_170 = arith.addi %scan3A_153, %scan3A_169 : i32
          %mul3A_171 = arith.constant 16 : i32
          %mul3A_172 = arith.muli %while3A_141, %mul3A_171 : i32
          %get3A_173 = arith.index_cast %scan3A_170 : i32 to index
          %get3A_174 = arith.index_cast %mul3A_172 : i32 to index
          %get3A_175 = tpu.vector_load %arg7[%get3A_173, %get3A_174] {strides = array<i32>} : memref<16x512xf32, #tpu.memory_space<vmem>>, vector<16xf32>,
          %add3A_176 = arith.addf %add3A_168, %get3A_175 : vector<16xf32>
          %scan3A_177 = arith.constant 3 : i32
          %scan3A_178 = arith.addi %scan3A_153, %scan3A_177 : i32
          %mul3A_179 = arith.constant 16 : i32
          %mul3A_180 = arith.muli %while3A_141, %mul3A_179 : i32
          %get3A_181 = arith.index_cast %scan3A_178 : i32 to index
          %get3A_182 = arith.index_cast %mul3A_180 : i32 to index
          %get3A_183 = tpu.vector_load %arg7[%get3A_181, %get3A_182] {strides = array<i32>} : memref<16x512xf32, #tpu.memory_space<vmem>>, vector<16xf32>,
          %add3A_184 = arith.addf %add3A_176, %get3A_183 : vector<16xf32>
          scf.yield %add3A_184 : vector<16xf32>
        }
        %scan3A_148 = arith.constant 16 : i32
        %swap3A_149 = arith.index_cast %while3A_141 : i32 to index
        %swap3A_150 = arith.constant 0 : index
        %swap3A_151 = tpu.vector_load %arg8[%swap3A_149, %swap3A_150] {strides = array<i32>} : memref<32x16xf32, #tpu.memory_space<vmem>>, vector<16xf32>,
        tpu.vector_store %arg8[%swap3A_149, %swap3A_150], %scan3A_147 {strides = array<i32>} : memref<32x16xf32, #tpu.memory_space<vmem>>, vector<16xf32>,
        %while3A_152 = arith.constant 0 : i32
        scf.yield %while3A_152 : i32
      }
      %swap3A = arith.constant 0 : index
      %swap3A_130 = tpu.vector_load %arg9[%swap3A] {strides = array<i32>} : memref<32xi32, #tpu.memory_space<vmem>>, vector<16xi32>,
      tpu.vector_store %arg9[%swap3A], %iota3A {strides = array<i32>} : memref<32xi32, #tpu.memory_space<vmem>>, vector<16xi32>,
      %add3A_131 = arith.constant 16 : i32
      %add3A_132 = vector.broadcast %add3A_131 : i32 to vector<16xi32>
      %add3A_133 = arith.addi %iota3A, %add3A_132 : vector<16xi32>
      %swap3A_134 = arith.constant 16 : index
      %swap3A_135 = tpu.vector_load %arg9[%swap3A_134] {strides = array<i32>} : memref<32xi32, #tpu.memory_space<vmem>>, vector<16xi32>,
      tpu.vector_store %arg9[%swap3A_134], %add3A_133 {strides = array<i32>} : memref<32xi32, #tpu.memory_space<vmem>>, vector<16xi32>,
      %eq3A_136 = arith.constant 0 : i32
      %eq3A_137 = arith.cmpi eq, %arg1, %eq3A_136 : i32
      %convert_element_type3A_138 = arith.extui %eq3A_137 : i1 to i32
      %cond3A_139 = arith.constant 0 : i32
      %cond3A_140 = arith.cmpi ne, %convert_element_type3A_138, %cond3A_139 : i32
      scf.if %cond3A_140 {
        "tpu.region"() ({
          %run_scoped3A = tpu.sem_alloc : memref<!tpu.dma_semaphore, #tpu.memory_space<semaphore_mem>>
          tpu.enqueue_dma source(%arg8 : memref<32x16xf32, #tpu.memory_space<vmem>>) target(%arg10 : memref<32x16xf32, #tpu.memory_space<vmem_shared>>) target_semaphore(%run_scoped3A : memref<!tpu.dma_semaphore, #tpu.memory_space<semaphore_mem>>)
          tpu.wait_dma2 semaphore(%run_scoped3A : memref<!tpu.dma_semaphore, #tpu.memory_space<semaphore_mem>>) src(%arg8 : memref<32x16xf32, #tpu.memory_space<vmem>>) dst(%arg10 : memref<32x16xf32, #tpu.memory_space<vmem_shared>>)
          tpu.yield
        }) : () -> ()
      } else {
      }
    } else {
    }
    %convert_element_type3A_12 = arith.extui %eq3A_0 : i1 to i32
    %cond3A_13 = arith.constant 0 : i32
    %cond3A_14 = arith.cmpi ne, %convert_element_type3A_12, %cond3A_13 : i32
    scf.if %cond3A_14 {
      %barrier3A = arith.constant 0 : index
      tpu.barrier barrier_id(%barrier3A)
    } else {
    }
    %gt3A = arith.constant 0 : i32
    %gt3A_15 = arith.cmpi sgt, %arg1, %gt3A : i32
    %and3A_16 = arith.andi %eq3A_0, %gt3A_15 : i1
    %convert_element_type3A_17 = arith.extui %and3A_16 : i1 to i32
    %cond3A_18 = arith.constant 0 : i32
    %cond3A_19 = arith.cmpi ne, %convert_element_type3A_17, %cond3A_18 : i32
    scf.if %cond3A_19 {
      "tpu.region"() ({
        %run_scoped3A = tpu.sem_alloc : memref<!tpu.dma_semaphore, #tpu.memory_space<semaphore_mem>>
        %dma_start3A = arith.constant 0 : i32
        %dma_start3A_29 = arith.constant 0 : i32
        %dma_start3A_30 = tpu.memref_slice %arg10[%dma_start3A, %dma_start3A_29] : memref<32x16xf32, #tpu.memory_space<vmem_shared>> -> memref<32x16xf32, #tpu.memory_space<vmem_shared>>
        tpu.enqueue_indirect_dma source(%arg8 : memref<32x16xf32, #tpu.memory_space<vmem>>) target(%dma_start3A_30 : memref<32x16xf32, #tpu.memory_space<vmem_shared>>) offsets(%arg9 : memref<32xi32, #tpu.memory_space<vmem>>) semaphore(%run_scoped3A : memref<!tpu.dma_semaphore, #tpu.memory_space<semaphore_mem>>) {add = true}
        %dma_wait3A = arith.constant 0 : i32
        %dma_wait3A_31 = arith.constant 0 : i32
        %dma_wait3A_32 = tpu.memref_slice %arg10[%dma_wait3A, %dma_wait3A_31] : memref<32x16xf32, #tpu.memory_space<vmem_shared>> -> memref<32x16xf32, #tpu.memory_space<vmem_shared>>
        tpu.wait_indirect_dma semaphore(%run_scoped3A : memref<!tpu.dma_semaphore, #tpu.memory_space<semaphore_mem>>) src(%arg8 : memref<32x16xf32, #tpu.memory_space<vmem>>) dst(%dma_wait3A_32 : memref<32x16xf32, #tpu.memory_space<vmem_shared>>)
        tpu.yield
      }) : () -> ()
    } else {
    }
    %convert_element_type3A_20 = arith.extui %eq3A_0 : i1 to i32
    %cond3A_21 = arith.constant 0 : i32
    %cond3A_22 = arith.cmpi ne, %convert_element_type3A_20, %cond3A_21 : i32
    scf.if %cond3A_22 {
      %barrier3A = arith.constant 0 : index
      tpu.barrier barrier_id(%barrier3A)
    } else {
    }
    %eq3A_23 = arith.constant 0 : i32
    %eq3A_24 = arith.cmpi eq, %arg1, %eq3A_23 : i32
    %and3A_25 = arith.andi %eq3A_0, %eq3A_24 : i1
    %convert_element_type3A_26 = arith.extui %and3A_25 : i1 to i32
    %cond3A_27 = arith.constant 0 : i32
    %cond3A_28 = arith.cmpi ne, %convert_element_type3A_26, %cond3A_27 : i32
    scf.if %cond3A_28 {
      "tpu.region"() ({
        %run_scoped3A = tpu.sem_alloc : memref<!tpu.dma_semaphore, #tpu.memory_space<semaphore_mem>>
        tpu.enqueue_dma source(%arg10 : memref<32x16xf32, #tpu.memory_space<vmem_shared>>) target(%arg4 : memref<32x16xf32, #tpu.memory_space<hbm>>) target_semaphore(%run_scoped3A : memref<!tpu.dma_semaphore, #tpu.memory_space<semaphore_mem>>)
        tpu.wait_dma2 semaphore(%run_scoped3A : memref<!tpu.dma_semaphore, #tpu.memory_space<semaphore_mem>>) src(%arg10 : memref<32x16xf32, #tpu.memory_space<vmem_shared>>) dst(%arg4 : memref<32x16xf32, #tpu.memory_space<hbm>>)
        tpu.yield
      }) : () -> ()
    } else {
    }
    return
  }
}

module attributes {stable_mosaic.version = 14 : i64} {
  func.func @_mlp_body(%arg0: i32, %arg1: memref<1xf32, #tpu.memory_space<smem>>, %arg2: memref<16384x128xf32, #tpu.memory_space<vmem>>, %arg3: memref<64x128xf32, #tpu.memory_space<vmem>>, %arg4: memref<64x1xf32, #tpu.memory_space<vmem>>, %arg5: memref<1x64xf32, #tpu.memory_space<vmem>>, %arg6: memref<16384xf32, #tpu.memory_space<vmem>>) attributes {dimension_semantics = [#tpu.dimension_semantics<arbitrary>], iteration_bounds = array<i64: 7>, scalar_prefetch = 0 : i64, scratch_operands = 0 : i64, tpu.core_type = #tpu.core_type<tc>, window_params = [{transform_indices = @transform_0, window_bounds = array<i64: 1>}, {transform_indices = @transform_1, window_bounds = array<i64: 16384, 128>}, {pipeline_mode = #tpu.pipeline_mode<synchronous>, transform_indices = @transform_2, window_bounds = array<i64: 64, 128>}, {pipeline_mode = #tpu.pipeline_mode<synchronous>, transform_indices = @transform_3, window_bounds = array<i64: 64, 1>}, {pipeline_mode = #tpu.pipeline_mode<synchronous>, transform_indices = @transform_4, window_bounds = array<i64: 1, 64>}, {transform_indices = @transform_5, window_bounds = array<i64: 16384>}]} {
    %get3A = arith.constant 0 : index
    %get3A_0 = arith.constant 0 : index
    %get3A_1 = vector.load %arg2[%get3A, %get3A_0] : memref<16384x128xf32, #tpu.memory_space<vmem>>, vector<16384x128xf32>
    %transpose3A = tpu.transpose %get3A_1, [1, 0] : vector<16384x128xf32> -> vector<128x16384xf32>
    %get3A_2 = arith.constant 0 : index
    %get3A_3 = arith.constant 0 : index
    %get3A_4 = vector.load %arg3[%get3A_2, %get3A_3] : memref<64x128xf32, #tpu.memory_space<vmem>>, vector<64x128xf32>
    %dot_general3A = arith.constant dense<0.000000e+00> : vector<64x16384xf32>
    %dot_general3A_5 = tpu.matmul %get3A_4, %transpose3A, %dot_general3A {dimension_numbers = #tpu.dot_dimension_numbers<[1], [0], [0], [1], [0, 0, 1, 1], [], []>, transpose_lhs_hint = false} : vector<64x128xf32>, vector<128x16384xf32>, vector<64x16384xf32> -> vector<64x16384xf32>
    %get3A_6 = arith.constant 0 : index
    %get3A_7 = arith.constant 0 : index
    %get3A_8 = vector.load %arg4[%get3A_6, %get3A_7] : memref<64x1xf32, #tpu.memory_space<vmem>>, vector<64x1xf32>
    %add3A = vector.broadcast %get3A_8 : vector<64x1xf32> to vector<64x16384xf32>
    %add3A_9 = arith.addf %dot_general3A_5, %add3A : vector<64x16384xf32>
    %neg3A = arith.constant 0.000000e+00 : f32
    %neg3A_10 = vector.broadcast %neg3A : f32 to vector<64x16384xf32>
    %neg3A_11 = arith.subf %neg3A_10, %add3A_9 : vector<64x16384xf32>
    %exp3A = math.exp %neg3A_11 : vector<64x16384xf32>
    %add3A_12 = arith.constant 1.000000e+00 : f32
    %add3A_13 = vector.broadcast %add3A_12 : f32 to vector<64x16384xf32>
    %add3A_14 = arith.addf %add3A_13, %exp3A : vector<64x16384xf32>
    %div3A = arith.constant 1.000000e+00 : f32
    %div3A_15 = vector.broadcast %div3A : f32 to vector<64x16384xf32>
    %div3A_16 = arith.divf %div3A_15, %add3A_14 : vector<64x16384xf32>
    %mul3A = arith.mulf %add3A_9, %div3A_16 : vector<64x16384xf32>
    %get3A_17 = arith.constant 0 : index
    %get3A_18 = arith.constant 0 : index
    %get3A_19 = vector.load %arg5[%get3A_17, %get3A_18] : memref<1x64xf32, #tpu.memory_space<vmem>>, vector<1x64xf32>
    %dot_general3A_20 = arith.constant dense<0.000000e+00> : vector<1x16384xf32>
    %dot_general3A_21 = tpu.matmul %get3A_19, %mul3A, %dot_general3A_20 {dimension_numbers = #tpu.dot_dimension_numbers<[1], [0], [0], [1], [0, 0, 1, 1], [], []>, transpose_lhs_hint = false} : vector<1x64xf32>, vector<64x16384xf32>, vector<1x16384xf32> -> vector<1x16384xf32>
    %get3A_22 = arith.constant 0 : index
    %get3A_23 = memref.load %arg1[%get3A_22] : memref<1xf32, #tpu.memory_space<smem>>
    %add3A_24 = arith.constant -4.24334192 : f32
    %add3A_25 = arith.addf %get3A_23, %add3A_24 : f32
    %add3A_26 = vector.broadcast %add3A_25 : f32 to vector<1x16384xf32>
    %add3A_27 = arith.addf %dot_general3A_21, %add3A_26 : vector<1x16384xf32>
    %reshape3A = vector.shape_cast %add3A_27 : vector<1x16384xf32> to vector<16384xf32>
    %swap3A = arith.constant 0 : index
    %swap3A_28 = vector.load %arg6[%swap3A] : memref<16384xf32, #tpu.memory_space<vmem>>, vector<16384xf32>
    tpu.vector_store %arg6[%swap3A], %reshape3A {strides = array<i32>} : memref<16384xf32, #tpu.memory_space<vmem>>, vector<16384xf32>,
    return
  }
  func.func @transform_0(%arg0: i32) -> i32 {
    %c0_i32 = arith.constant 0 : i32
    %c0_i32_0 = arith.constant 0 : i32
    return %c0_i32 : i32
  }
  func.func @transform_1(%arg0: i32) -> (i32, i32) {
    %c0_i32 = arith.constant 0 : i32
    %c0_i32_0 = arith.constant 0 : i32
    return %arg0, %c0_i32 : i32, i32
  }
  func.func @transform_2(%arg0: i32) -> (i32, i32) {
    %c0_i32 = arith.constant 0 : i32
    %c0_i32_0 = arith.constant 0 : i32
    %c0_i32_1 = arith.constant 0 : i32
    return %c0_i32, %c0_i32_0 : i32, i32
  }
  func.func @transform_3(%arg0: i32) -> (i32, i32) {
    %c0_i32 = arith.constant 0 : i32
    %c0_i32_0 = arith.constant 0 : i32
    %c0_i32_1 = arith.constant 0 : i32
    return %c0_i32, %c0_i32_0 : i32, i32
  }
  func.func @transform_4(%arg0: i32) -> (i32, i32) {
    %c0_i32 = arith.constant 0 : i32
    %c0_i32_0 = arith.constant 0 : i32
    %c0_i32_1 = arith.constant 0 : i32
    return %c0_i32, %c0_i32_0 : i32, i32
  }
  func.func @transform_5(%arg0: i32) -> i32 {
    %c0_i32 = arith.constant 0 : i32
    return %arg0 : i32
  }
}

</mosaic_0001>

<sc_bundles>
// kernel: kernel.4.cloned.1.call-start
scs
__scs_entry_jumppad:
0x0: {  	(pc) =	sbr.rel $0x88, $3  }
0x1: {  	(tag) =	ssettag $0x0;
	lr =	simm.s32 $0x1  }
0x2: {  	[smem:$0x3F9B] =	sst lr;
	_ =	strace $0xD0000000  }
0x3: {  	_ = 	snop  }
0x4: {  	_ = 	snop  }
0x5: {  	_ = 	snop  }
0x6: {  	_ = 	snop  }
0x7: {  	_ = 	snop  }
__scs_overlays_trampoline_lowered:
0x8: {  	[smem:$0x3FAA] =	sst s0  }
0x9: {  	[smem:$0x3FAB] =	sst s1  }
0xa: {  	[smem:$0x3FAC] =	sst s2  }
0xb: {  	[smem:$0x3FAD] =	sst s3  }
0xc: {  	[smem:$0x3FAE] =	sst s4  }
0xd: {  	[smem:$0x3FAF] =	sst s5  }
0xe: {  	[smem:$0x3FB0] =	sst s6  }
0xf: {  	[smem:$0x3FB1] =	sst s7  }
0x10: {  	[smem:$0x3FB2] =	sst s8  }
0x11: {  	[smem:$0x3FB3] =	sst s9;
	s0 =	simm.s32 @!p0 $0x0  }
0x12: {  	s1 =	sld [smem:$0x3F99];
	s0 =	simm.s32 @p0 $0x1  }
0x13: {  	[smem:$0x3FB4] =	sst s0;
	s0 =	simm.s32 @!p1 $0x0  }
0x14: {  	s2 =	sld [smem:$0x3F98];
	s0 =	simm.s32 @p1 $0x1  }
0x15: {  	[smem:$0x3FB5] =	sst s0;
	s0 =	simm.s32 @!p2 $0x0  }
0x16: {  	s3 =	sld [smem:$0x3FDB];
	s0 =	simm.s32 @p2 $0x1  }
0x17: {  	s4 =	simm.s32 $0x1BF5;
	[smem:$0x3FB7] =	sst s0  }
0x18: {  	s0 =	sld [smem:$0x3F9A];
	_ =	swait.ge [sflag:s4], $0x0  }
0x19: {  	s7 =	sld [smem:$0x3F9B]  }
0x1a: {  	s8 =	sadd.s32 $0xFFFFE003, lr  }
0x1b: {  	s9 =	sadd.s32 $0xFFFFFEF7, lr;
	s5 =	simm.s32 $0xFFFFFFFF;
	p2 =	slt.u32 s8, $0xFFFFF086  }
0x1c: {  	p1 =	slt.u32 s9, $0xF7A;
	s5 =	simm.s32 @!p2 $0x0  }
0x1d: {  	s5 =	simm.s32 @p1 $0x1;
	p0 =	seq.s32 s7, s2  }
0x1e: {  	s7 =	smul.u32 @!p0 $0xF7A, s2;
	p2 =	seq.s32 @!p0 s5, $0x0  }
0x1f: {  	s9 =	smul.u32 $0xF7A, s1;
	s8 =	simm.s32 @!p0 $0x1BF5;
	p2 =	por !p2, p0  }
0x20: {  	[sflag:s8] =	ssyncset.s32 @!p0 $0xFFFFF086;
	s6 =	sadd.s32 @!p0 s3, s7;
	s7 =	simm.s32 @!p0 $0x108  }
0x21: {  	s3 =	sadd.s32 s3, s9;
	s6 =	sadd.s32 @!p0 $0x88, s6;
	s7 =	simm.s32 @p2 $0x1082  }
0x22: {  	[simem:s7], [sflag:s8] =	dma.local @!p0 [hbm:s6], $0xF7A  }
0x23: {  	s9 =	sor.u32 $0xD0000000, s2;
	s6 =	simm.s32 $0x108;
	_ =	swait.ge @!p0 [sflag:s8], $0x0  }
0x24: {  	s3 =	sadd.s32 $0x88, s3;
	s6 =	simm.s32 @!p1 $0x1082;
	[sflag:s4] =	ssyncset.s32 $0xFFFFF086  }
0x25: {  	[simem:s6], [sflag:s4] =	dma.local [hbm:s3], $0xF7A  }
0x26: {  	[smem:$0x3F9B] =	sst s1;
	(tag) =	ssettag s2;
	_ =	strace s9  }
0x27: {  	s1 =	sld [smem:$0x3FAB]  }
0x28: {  	s2 =	sld [smem:$0x3FAC]  }
0x29: {  	s4 =	sld [smem:$0x3FAE]  }
0x2a: {  	p0 =	seq.s32 s5, $0x0;
	s5 =	sld [smem:$0x3FAF]  }
0x2b: {  	s6 =	sld [smem:$0x3FB0]  }
0x2c: {  	s7 =	sld [smem:$0x3FB1]  }
0x2d: {  	s3 =	simm.s32 $0x108;
	s8 =	sld [smem:$0x3FB2]  }
0x2e: {  	s3 =	simm.s32 @!p0 $0x1082;
	s9 =	sld [smem:$0x3FB3]  }
0x2f: {  	lr =	sadd.s32 s0, s3;
	s0 =	sld [smem:$0x3FAA]  }
0x30: {  	s3 =	sld [smem:$0x3FAD]  }
0x31: {  	[smem:$0x3FB6] =	sst s10  }
0x32: {  	s10 =	sld [smem:$0x3FB4];
	_ =	sdelay $0x3  }
0x33: {  	p0 =	seq.s32 s10, $0x1;
	s10 =	sld [smem:$0x3FB6];
	_ =	sdelay $0x3  }
0x34: {  	[smem:$0x3FB6] =	sst s10  }
0x35: {  	s10 =	sld [smem:$0x3FB5];
	_ =	sdelay $0x3  }
0x36: {  	p1 =	seq.s32 s10, $0x1;
	s10 =	sld [smem:$0x3FB6];
	_ =	sdelay $0x3  }
0x37: {  	[smem:$0x3FB6] =	sst s10  }
0x38: {  	s10 =	sld [smem:$0x3FB7]  }
0x39: {  	_ = 	snop;
	(pc) =	sbr.ind lr, $3  }
0x3a: {  	_ = 	snop  }
0x3b: {  	_ = 	snop  }
0x3c: {  	p2 =	seq.s32 s10, $0x1;
	s10 =	sld [smem:$0x3FB6]  }
0x3d: {  	_ =	shalt  }
0x3e: {  	_ =	shalt  }
0x3f: {  	_ =	shalt  }
0x40: {  	_ =	shalt  }
0x41: {  	_ =	shalt  }
0x42: {  	_ =	shalt  }
0x43: {  	_ =	shalt  }
0x44: {  	_ =	shalt  }
0x45: {  	_ =	shalt  }
0x46: {  	_ =	shalt  }
0x47: {  	_ =	shalt  }
0x48: {  	_ =	shalt  }
0x49: {  	_ =	shalt  }
0x4a: {  	_ =	shalt  }
0x4b: {  	_ =	shalt  }
0x4c: {  	_ =	shalt  }
0x4d: {  	_ =	shalt  }
0x4e: {  	_ =	shalt  }
0x4f: {  	_ =	shalt  }
0x50: {  	_ =	shalt  }
0x51: {  	_ =	shalt  }
0x52: {  	_ =	shalt  }
0x53: {  	_ =	shalt  }
0x54: {  	_ =	shalt  }
0x55: {  	_ =	shalt  }
0x56: {  	_ =	shalt  }
0x57: {  	_ =	shalt  }
0x58: {  	_ =	shalt  }
0x59: {  	_ =	shalt  }
0x5a: {  	_ =	shalt  }
0x5b: {  	_ =	shalt  }
0x5c: {  	_ =	shalt  }
0x5d: {  	_ =	shalt  }
0x5e: {  	_ =	shalt  }
0x5f: {  	_ =	shalt  }
0x60: {  	_ =	shalt  }
0x61: {  	_ =	shalt  }
0x62: {  	_ =	shalt  }
0x63: {  	_ =	shalt  }
0x64: {  	_ =	shalt  }
0x65: {  	_ =	shalt  }
0x66: {  	_ =	shalt  }
0x67: {  	_ =	shalt  }
0x68: {  	_ =	shalt  }
0x69: {  	_ =	shalt  }
0x6a: {  	_ =	shalt  }
0x6b: {  	_ =	shalt  }
0x6c: {  	_ =	shalt  }
0x6d: {  	_ =	shalt  }
0x6e: {  	_ =	shalt  }
0x6f: {  	_ =	shalt  }
0x70: {  	_ =	shalt  }
0x71: {  	_ =	shalt  }
0x72: {  	_ =	shalt  }
0x73: {  	_ =	shalt  }
0x74: {  	_ =	shalt  }
0x75: {  	_ =	shalt  }
0x76: {  	_ =	shalt  }
0x77: {  	_ =	shalt  }
0x78: {  	_ =	shalt  }
0x79: {  	_ =	shalt  }
0x7a: {  	_ =	shalt  }
0x7b: {  	_ =	shalt  }
0x7c: {  	_ =	shalt  }
0x7d: {  	_ =	shalt  }
0x7e: {  	_ =	shalt  }
0x7f: {  	_ =	shalt  }
0x80: {  	_ =	shalt  }
0x81: {  	_ =	shalt  }
0x82: {  	_ =	shalt  }
0x83: {  	_ =	shalt  }
0x84: {  	_ =	shalt  }
0x85: {  	_ =	shalt  }
0x86: {  	_ =	shalt  }
0x87: {  	_ =	shalt  }
.Lfunc_end0:
.L_simem_size_0:
called_computation_lowered:
.L_overlay_start_0:
0x88: {  	s2 =	sld [smem:$0x3FD9]  }
0x89: {  	s3 =	sld [smem:$0x3FFE];
	_ =	sdelay $0x1  }
0x8a: {  	s1 =	srdreg.scid  }
0x8b: {  	s0 =	sand.u32 $0x1, s1  }
0x8c: {  	s17 =	sshll.u32 s0, $0xA;
	s2 =	sadd.s32 s3, s2  }
0x8d: {  	s2 =	sadd.s32 s2, s17  }
0x8e: {  	[smem:$0x3FC2] =	sst s2  }
0x8f: {  	_ = 	snop  }
0x90: {  	s2 =	sld [smem:$0x3FC8]  }
0x91: {  	s18 =	sld [smem:$0x3FD0];
	(tm) =	ssettm $0x1  }
0x92: {  	s4 =	sld [smem:$0x3FFB];
	_ =	sdelay $0x3  }
0x93: {  	_ =	strace s4  }
0x94: {  	s4 =	sld [smem:$0x3FFC];
	_ =	sdelay $0x3  }
0x95: {  	_ =	strace s4  }
0x96: {  	s4 =	sld [smem:$0x3FFD];
	_ =	sdelay $0x3  }
0x97: {  	_ =	strace s4  }
0x98: {  	_ =	strace $0x8FFFFFFF  }
0x99: {  	s19 =	sld [smem:$0x3FDB];
	_ =	sdelay $0x1  }
0x9a: {  	s5 =	simm.s32 $_scs_section_size  }
0x9b: {  	s6 =	simm.s32 $_size__tile_overlayer_lowered;
	s7 =	simm.s32 $_tile_overlayer_lowered  }
0x9c: {  	s22 =	simm.s32 $0x1BFF;
	s21 =	sshll.u32 s7, $0x1;
	s4 =	sadd.s32 s5, s19  }
0x9d: {  	s8 =	simm.s32 $0x0;
	s20 =	sshll.u32 s6, $0x1;
	s6 =	sadd.s32 s21, s4  }
0x9e: {  	[timem:s8], [sflag:s22] =	dma.local [hbm:s6], s20  }
0x9f: {  	_ =	swait.ge [sflag:s22], s20  }
0xa0: {  	s5 =	ssub.s32 $0x0, s20;
	[sflag:s22] =	ssyncset.done $0x0  }
0xa1: {  	[sflag:s22] =	ssyncadd.s32 s5;
	_ =	sdelay $0x1  }
0xa2: {  	s23 =	simm.s32 $0x1B8B  }
0xa3: {  	_ =	swait.ge [sflag:s23], $0x1  }
0xa4: {  	[sflag:s23] =	ssyncset.done $0x0  }
0xa5: {  	s25 =	simm.s32 $0x1B8E;
	s24 =	sld [smem:$0x3FFE];
	[sflag:s23] =	ssyncadd.s32 $0xFFFFFFFF  }
0xa6: {  	s26 =	simm.s32 $execute0_lowered;
	[smem:$0x3FD2] =	sst s25  }
0xa7: {  	s6 =	sshll.u32 s26, $0x1;
	_ =	strace $0x80000046;
	[dreg:$0x1] =	wrdreg $0xFFFFFFFF  }
0xa8: {  	s28 =	simm.s32 $_size_execute0_lowered;
	s4 =	sadd.s32 s4, s6;
	[dreg:$0x0] =	wrdreg $0x0  }
0xa9: {  	s6 =	sshll.u32 s28, $0x1;
	[dreg:$0x2] =	wrdreg s4  }
0xaa: {  	[dreg:$0x3] =	wrdreg s6  }
0xab: {  	[dreg:$0x4] =	wrdreg $0xC0  }
0xac: {  	_ =	task [dreg:s8], $0x5FFFF  }
0xad: {  	[dreg:$0x1] =	wrdreg $0xFFFFFFFF  }
0xae: {  	[dreg:$0x0] =	wrdreg $0x60  }
0xaf: {  	[dreg:$0x2] =	wrdreg s24  }
0xb0: {  	[dreg:$0x3] =	wrdreg s2  }
0xb1: {  	[dreg:$0x4] =	wrdreg s18  }
0xb2: {  	[dreg:$0x5] =	wrdreg $0x53200  }
0xb3: {  	[dreg:$0x6] =	wrdreg $0x9  }
0xb4: {  	_ =	task.clear_ibuf [dreg:s8], $0x7FFFF;
	_ =	strace $0x90000046  }
0xb5: {  	s29 =	simm.s32 $0x9;
	_ =	strace $0x80000048  }
0xb6: {  	_ =	swait.ge [sflag:s29], $0x1  }
0xb7: {  	[sflag:s29] =	ssyncadd.s32 $0xFFFFFFFF  }
0xb8: {  	_ =	strace $0x90000048  }
0xb9: {  	_ =	sfence  }
0xba: {  	s30 =	sld [smem:$0x0];
	_ =	sdelay $0x2  }
0xbb: {  	s31 =	sshll.u32 s1, $0xD;
	s1 =	sshrl.u32 s1, $0x2  }
0xbc: {  	s3 =	sand.u32 $0x4000, s31;
	s1 =	sadd.s32 s1, s30  }
0xbd: {  	s0 =	sor.u32 s3, s0;
	s1 =	sshll.u32 s1, $0x11  }
0xbe: {  	s0 =	sor.u32 s1, s0  }
0xbf: {  	s0 =	sadd.s32 $0x8F2B, s0  }
0xc0: {  	[sflag:s0] =	ssyncadd.remote.s32 $0x1  }
0xc1: {  	_ =	sfence.sel $0xFFFF  }
0xc2: {  	[dreg:$0x0] =	wrdreg $0xFFFFFFFF;
	(pc) =	sbr.abs _section_cstart, $3  }
0xc3: {  	[dreg:$0x1] =	wrdreg $0xFFFFFFFF  }
0xc4: {  	_ =	task.clear_ibuf [dreg:s8], $0x2FFFF;
	_ =	strace $0x9FFFFFFF  }
0xc5: {  	(tm) =	ssettm $0x7FFFFFFF  }
tec
execute0_lowered:
.L_overlay_start_1:
0x0: {  	(tag) =	ssettag $0x1  }
0x1: {  	s5 =	rddreg [dreg:$0x0]  }
0x2: {  	s8 =	rddreg [dreg:$0x1]  }
0x3: {  	s1 =	rddreg [dreg:$0x2]  }
0x4: {  	s2 =	rddreg [dreg:$0x3];
	s3 =	stileid.u32  }
0x5: {  	s0 =	rddreg [dreg:$0x4];
	s4 =	simm.s32 $0x0;
	s6 =	srdreg.scid  }
0x6: {  	s11 =	simm.s32 $0x1880;
	s12 =	simm.s32 $0x1;
	s13 =	simm.s32 $0x2  }
0x7: {  	s14 =	simm.s32 $0x3100;
	s15 =	simm.s32 $0x5100;
	s16 =	simm.s32 $0x3  }
0x8: {  	s18 =	simm.s32 $0x5300;
	s9 =	smul.u32 $0x310, s3;
	[smem:$0x7FF] =	sst s4  }
0x9: {  	s17 =	sand.u32 $0x1, s6;
	p0 =	sne.s32 s3, $0xF;
	p2 =	seq.s32 s3, $0xF  }
0xa: {  	_ =	strace $0x80000047;
	s6 =	ssub.s32 $0x2, s17;
	p1 =	seq.s32 s17, $0x0  }
0xb: {  	s19 =	sor.u32 s3, s17;
	s10 =	sshrl.u32 s6, $0x1;
	p0 =	por !p1, !p0  }
0xc: {  	s7 =	sadd.s32 s9, s5;
	s10 =	ssub.s32 s6, s10;
	s6 =	simm.s32 @!p0 $0x0  }
0xd: {  	p6 =	por !p1, !p2;
	s5 =	sadd.s32 $0x37F0, s5;
	s6 =	simm.s32 @p0 $0x1  }
0xe: {  	p3 =	por !p0, !p0;
	[smem:$0x7F9] =	sst s6;
	s6 =	simm.s32 @!p1 $0x0  }
0xf: {  	s7 =	sadd.s32 $0xA00, s7;
	p0 =	por !p6, !p6;
	s6 =	simm.s32 @p1 $0x1  }
0x10: {  	p1 =	sne.s32 s3, $0x0;
	[smem:$0x7FA] =	sst s6;
	s6 =	simm.s32 @!p0 $0x0  }
0x11: {  	s10 =	smax.u32 s10, $0x1;
	s20 =	simm.s32 @!p1 $0x0;
	s6 =	simm.s32 @p0 $0x1  }
.Ltmp0:
0x12: {  	p0 =	sne.s32 s17, $0x0;
	s20 =	simm.s32 @p1 $0x1;
	(pc) =	sbr.rel .LBB2_1-.Ltmp0, $4  }
0x13: {  	[smem:$0x7FB] =	sst s6;
	s6 =	sadd.s32 $0x2DF0, s8;
	s8 =	sadd.s32 s8, s9  }
0x14: {  	s9 =	simm.s32 $0x1710;
	s17 =	simm.s32 @!p0 $0x0;
	[smem:$0x7FD] =	sst s20  }
0x15: {  	v0 =	vlaneseq.u32;
	s9 =	simm.s32 @!p2 $0x1870;
	s17 =	simm.s32 @p0 $0x1;
	p0 =	sne.s32 s19, $0x0  }
0x16: {  	v1 =	vimm.f32 $0.0e+00;
	v2 =	vmul.u32 $0x200, v0;
	v3 =	vor.u32 $0x10, v0;
	s19 =	simm.s32 $0x0;
	[smem:$0x7FC] =	sst s17;
	s17 =	simm.s32 $0x20  }
.LBB2_56:
0x17: {  	[bflag:$0x0] =	sbarrier.arrive $0xFFFF  }
.LBB2_57:
0x18: {  	s20 =	sshll.u32 @!p0 s3, $0x6;
	s19 =	sadd.s32 $0x1, s19  }
0x19: {  	s21 =	sshrl.u32 @!p0 s2, $0x3;
	s20 =	sadd.s32 @!p0 $0x1C03, s20;
	p1 =	sne.s32 s19, s10  }
0x1a: {  	[hbm:s1], [sflag:s20] =	dma.local @!p0 [spmem:s21], $0x40  }
.Ltmp1:
0x1b: {  	_ = 	snop;
	(pc) =	sbr.rel @!p1 .LBB2_58-.Ltmp1, $4  }
0x1c: {  	s20 =	simm.s32 @!p0 $0x3  }
0x1d: {  	_ =	swait.ge @!p0 [sflag:s20], $0x40  }
0x1e: {  	[sflag:s20] =	ssyncset.done @!p0 $0x0  }
0x1f: {  	[sflag:s20] =	ssyncadd.s32 @!p0 $0xFFFFFFC0  }
.LBB2_1:
.Ltmp2:
0x20: {  	(pc) =	sbr.rel @!p3 .LBB2_3-.Ltmp2, $1  }
0x21: {  	_ =	sdelay $0x3  }
0x22: {  	[tilespmem:s4], [sflag:$0x1] =	stream.linear.gather [hbm4b:s7+s4], $0x1880, $0x38;
	[tilespmem:$0x5340] =	vst v63  }
0x23: {  	_ = 	snop  }
0x24: {  	[tilespmem:s11], [sflag:$0x2] =	stream.linear.gather [hbm4b:s8+s4], $0x1880, $0x38;
	[tilespmem:$0x5340] =	vst v63  }
0x25: {  	_ =	swait.ge [sflag:s12], $0x1880  }
0x26: {  	[sflag:s12] =	ssyncset.done $0x0  }
0x27: {  	[sflag:s12] =	ssyncadd.s32 $0xFFFFE780  }
.Ltmp3:
0x28: {  	_ =	swait.ge [sflag:s13], $0x1880;
	(pc) =	sbr.rel .LBB2_6-.Ltmp3, $3  }
0x29: {  	s21 =	sld [smem:$0x7F9];
	_ =	sdelay $0x1  }
0x2a: {  	[sflag:s13] =	ssyncset.done $0x0  }
0x2b: {  	s20 =	simm.s32 $0x1870;
	[sflag:s13] =	ssyncadd.s32 $0xFFFFE780;
	p1 =	seq.s32 s21, $0x1  }
.LBB2_3:
0x2c: {  	s20 =	sld [smem:$0x7FB];
	_ =	sdelay $0x2  }
0x2d: {  	p1 =	seq.s32 s20, $0x1  }
.Ltmp4:
0x2e: {  	_ = 	snop;
	(pc) =	sbr.rel @!p1 .LBB2_5-.Ltmp4, $1  }
0x2f: {  	_ =	sdelay $0x3  }
0x30: {  	[tilespmem:s4], [sflag:$0x1] =	stream.linear.gather [hbm4b:s5+s4], $0x1720, $0x38;
	[tilespmem:$0x5340] =	vst v63  }
0x31: {  	_ = 	snop  }
0x32: {  	[tilespmem:s11], [sflag:$0x2] =	stream.linear.gather [hbm4b:s6+s4], $0x1720, $0x38;
	[tilespmem:$0x5340] =	vst v63  }
0x33: {  	_ =	swait.ge [sflag:s12], $0x1720  }
0x34: {  	[sflag:s12] =	ssyncset.done $0x0  }
0x35: {  	[sflag:s12] =	ssyncadd.s32 $0xFFFFE8E0  }
.Ltmp5:
0x36: {  	_ =	swait.ge [sflag:s13], $0x1720;
	(pc) =	sbr.rel .LBB2_6-.Ltmp5, $3  }
0x37: {  	s21 =	sld [smem:$0x7F9];
	_ =	sdelay $0x1  }
0x38: {  	[sflag:s13] =	ssyncset.done $0x0  }
0x39: {  	s20 =	simm.s32 $0x1710;
	[sflag:s13] =	ssyncadd.s32 $0xFFFFE8E0;
	p1 =	seq.s32 s21, $0x1  }
.LBB2_5:
0x3a: {  	s21 =	sld [smem:$0x7FC];
	_ =	sdelay $0x2  }
0x3b: {  	p4 =	seq.s32 s21, $0x1  }
.Ltmp6:
0x3c: {  	_ = 	snop;
	(pc) =	sbr.rel @p4 .LBB2_57-.Ltmp6, $2  }
0x3d: {  	_ =	sdelay $0x2  }
0x3e: {  	p1 =	por p2, p2;
	s20 =	smov.u32 s9  }
.LBB2_6:
0x3f: {  	v4 =	vld [tilespmem:$0x1880];
	_ =	sdelay $0x1  }
0x40: {  	v5 =	vld [tilespmem:s20+$0x1880];
	_ =	sdelay $0x2  }
0x41: {  	v4 =	vxor.u32 $0x80000000, v4  }
0x42: {  	(xrf0) =	vmin.scan.msk.u32 $0xffff, v4  }
0x43: {  	v4 =	vxor.u32 $0x80000000, v5  }
0x44: {  	(xrf0) =	vmax.scan.msk.u32 $0xffff, v4;
	_ =	sdelay $0x3  }
0x45: {  	v4, _, _ =	vpop (xrf0)  }
0x46: {  	(v2sf) =	vpush v4, $0xF  }
0x47: {  	[tilespmem:$0x5100] =	vst v1;
	v4, _, _ =	vpop (xrf0)  }
0x48: {  	[tilespmem:$0x5110] =	vst v1;
	(v2sf) =	vpush v4, $0xF  }
0x49: {  	[tilespmem:$0x5120] =	vst v1  }
0x4a: {  	[tilespmem:$0x5130] =	vst v1  }
0x4b: {  	[tilespmem:$0x5140] =	vst v1  }
0x4c: {  	[tilespmem:$0x5150] =	vst v1  }
0x4d: {  	[tilespmem:$0x5160] =	vst v1  }
0x4e: {  	[tilespmem:$0x5170] =	vst v1  }
0x4f: {  	[tilespmem:$0x5180] =	vst v1  }
0x50: {  	[tilespmem:$0x5190] =	vst v1  }
0x51: {  	[tilespmem:$0x51A0] =	vst v1  }
0x52: {  	[tilespmem:$0x51B0] =	vst v1  }
0x53: {  	[tilespmem:$0x51C0] =	vst v1  }
0x54: {  	[tilespmem:$0x51D0] =	vst v1  }
0x55: {  	[tilespmem:$0x51E0] =	vst v1;
	s25 =	spop (v2sf)  }
0x56: {  	[tilespmem:$0x51F0] =	vst v1;
	s24 =	simm.s32 $0x1;
	s21 =	sxor.u32 $0x80000000, s25  }
0x57: {  	[tilespmem:$0x5200] =	vst v1;
	p5 =	sgt.s32 s25, $0xFFFFFFFF;
	s20 =	sand.u32 $0xF, s25;
	s23 =	spop (v2sf)  }
0x58: {  	[tilespmem:$0x5210] =	vst v1;
	s22 =	sshra.s32 s21, $0x1F;
	p4 =	slt.s32 s21, $0x1;
	p6 =	sne.s32 s20, $0x0  }
0x59: {  	[tilespmem:$0x5220] =	vst v1;
	s28 =	sxor.u32 $0x80000000, s23;
	s29 =	sand.u32 $0xF, s23;
	p4 =	por p5, p4  }
0x5a: {  	[tilespmem:$0x5230] =	vst v1;
	s22 =	sshrl.u32 s22, $0x1C;
	p5 =	sgt.s32 s23, $0xFFFFFFFF;
	p4 =	por !p6, !p4  }
0x5b: {  	[tilespmem:$0x5240] =	vst v1;
	s30 =	sshra.s32 s28, $0x1F;
	p6 =	por !p4, !p4;
	p4 =	slt.s32 s28, $0x1  }
0x5c: {  	[tilespmem:$0x5250] =	vst v1;
	s23 =	simm.s32 $0x1;
	p4 =	por p5, p4;
	p5 =	sne.s32 s29, $0x0  }
0x5d: {  	[tilespmem:$0x5260] =	vst v1;
	s26 =	sadd.s32 s22, s21;
	s31 =	sshrl.u32 s30, $0x1C;
	p4 =	por !p5, !p4  }
0x5e: {  	[tilespmem:$0x5270] =	vst v1;
	s20 =	sshra.s32 s26, $0x4;
	s21 =	sadd.s32 s31, s28;
	p4 =	por !p4, !p4  }
0x5f: {  	[tilespmem:$0x5280] =	vst v1;
	s24 =	simm.s32 @!p6 $0x0;
	s22 =	sshra.s32 s21, $0x4;
	s23 =	simm.s32 @!p4 $0x0  }
0x60: {  	[tilespmem:$0x5290] =	vst v1;
	s21 =	ssub.s32 s20, s24;
	s24 =	ssub.s32 s22, s23  }
0x61: {  	[tilespmem:$0x52A0] =	vst v1;
	p5 =	sgt.s32 s21, s24  }
.Ltmp7:
0x62: {  	[tilespmem:$0x52B0] =	vst v1;
	(pc) =	sbr.rel @p5 .LBB2_39-.Ltmp7, $4  }
0x63: {  	[tilespmem:$0x52C0] =	vst v1  }
0x64: {  	[tilespmem:$0x52D0] =	vst v1  }
0x65: {  	[tilespmem:$0x52E0] =	vst v1;
	s23 =	simm.s32 $0xFFFFFFFF  }
0x66: {  	[tilespmem:$0x52F0] =	vst v1;
	s23 =	simm.s32 @!p6 $0x0  }
0x67: {  	s24 =	smov.u32 @p5 s21  }
0x68: {  	s25 =	sadd.s32 s23, s20;
	s24 =	sxor.u32 $0xFFFFFFFF, s24  }
0x69: {  	s24 =	sadd.s32 s25, s24  }
0x6a: {  	s26 =	sadd.s32 $0x1, s24  }
0x6b: {  	p6 =	seq.s32 s26, $0x0  }
.Ltmp8:
0x6c: {  	_ = 	snop;
	(pc) =	sbr.rel @p6 .LBB2_9-.Ltmp8, $4  }
0x6d: {  	s31 =	sshll.u32 s21, $0x6  }
0x6e: {  	s25 =	sshra.s32 s31, $0x2  }
0x6f: {  	s28 =	sadd.s32 $0x3100, s25  }
0x70: {  	[tilespmem:s28+$0x0] =	vst v1  }
.LBB2_8:
0x71: {  	s26 =	sadd.s32 $0x1, s26  }
0x72: {  	p6 =	seq.s32 s26, $0x0  }
.Ltmp9:
0x73: {  	_ = 	snop;
	(pc) =	sbr.rel @!p6 .LBB2_8-.Ltmp9, $3  }
0x74: {  	_ =	sdelay $0x1  }
0x75: {  	s28 =	sadd.s32 $0x10, s28  }
0x76: {  	[tilespmem:s28+$0x0] =	vst v1  }
.LBB2_9:
0x77: {  	s26 =	sadd.s32 $0x1, s24  }
0x78: {  	p6 =	seq.s32 s26, $0x0  }
.Ltmp10:
0x79: {  	_ = 	snop;
	(pc) =	sbr.rel @p6 .LBB2_11-.Ltmp10, $3  }
0x7a: {  	_ =	sdelay $0x1  }
0x7b: {  	s28 =	sadd.s32 $0x3300, s25  }
0x7c: {  	[tilespmem:s28+$0x0] =	vst v1  }
.LBB2_10:
0x7d: {  	s26 =	sadd.s32 $0x1, s26  }
0x7e: {  	p6 =	seq.s32 s26, $0x0  }
.Ltmp11:
0x7f: {  	_ = 	snop;
	(pc) =	sbr.rel @!p6 .LBB2_10-.Ltmp11, $3  }
0x80: {  	_ =	sdelay $0x1  }
0x81: {  	s28 =	sadd.s32 $0x10, s28  }
0x82: {  	[tilespmem:s28+$0x0] =	vst v1  }
.LBB2_11:
0x83: {  	s26 =	sadd.s32 $0x1, s24  }
0x84: {  	p6 =	seq.s32 s26, $0x0  }
.Ltmp12:
0x85: {  	_ = 	snop;
	(pc) =	sbr.rel @p6 .LBB2_13-.Ltmp12, $3  }
0x86: {  	_ =	sdelay $0x1  }
0x87: {  	s28 =	sadd.s32 $0x3500, s25  }
0x88: {  	[tilespmem:s28+$0x0] =	vst v1  }
.LBB2_12:
0x89: {  	s26 =	sadd.s32 $0x1, s26  }
0x8a: {  	p6 =	seq.s32 s26, $0x0  }
.Ltmp13:
0x8b: {  	_ = 	snop;
	(pc) =	sbr.rel @!p6 .LBB2_12-.Ltmp13, $3  }
0x8c: {  	_ =	sdelay $0x1  }
0x8d: {  	s28 =	sadd.s32 $0x10, s28  }
0x8e: {  	[tilespmem:s28+$0x0] =	vst v1  }
.LBB2_13:
0x8f: {  	s26 =	sadd.s32 $0x1, s24  }
0x90: {  	p6 =	seq.s32 s26, $0x0  }
.Ltmp14:
0x91: {  	_ = 	snop;
	(pc) =	sbr.rel @p6 .LBB2_15-.Ltmp14, $3  }
0x92: {  	_ =	sdelay $0x1  }
0x93: {  	s28 =	sadd.s32 $0x3700, s25  }
0x94: {  	[tilespmem:s28+$0x0] =	vst v1  }
.LBB2_14:
0x95: {  	s26 =	sadd.s32 $0x1, s26  }
0x96: {  	p6 =	seq.s32 s26, $0x0  }
.Ltmp15:
0x97: {  	_ = 	snop;
	(pc) =	sbr.rel @!p6 .LBB2_14-.Ltmp15, $3  }
0x98: {  	_ =	sdelay $0x1  }
0x99: {  	s28 =	sadd.s32 $0x10, s28  }
0x9a: {  	[tilespmem:s28+$0x0] =	vst v1  }
.LBB2_15:
0x9b: {  	s26 =	sadd.s32 $0x1, s24  }
0x9c: {  	p6 =	seq.s32 s26, $0x0  }
.Ltmp16:
0x9d: {  	_ = 	snop;
	(pc) =	sbr.rel @p6 .LBB2_17-.Ltmp16, $3  }
0x9e: {  	_ =	sdelay $0x1  }
0x9f: {  	s28 =	sadd.s32 $0x3900, s25  }
0xa0: {  	[tilespmem:s28+$0x0] =	vst v1  }
.LBB2_16:
0xa1: {  	s26 =	sadd.s32 $0x1, s26  }
0xa2: {  	p6 =	seq.s32 s26, $0x0  }
.Ltmp17:
0xa3: {  	_ = 	snop;
	(pc) =	sbr.rel @!p6 .LBB2_16-.Ltmp17, $3  }
0xa4: {  	_ =	sdelay $0x1  }
0xa5: {  	s28 =	sadd.s32 $0x10, s28  }
0xa6: {  	[tilespmem:s28+$0x0] =	vst v1  }
.LBB2_17:
0xa7: {  	s26 =	sadd.s32 $0x1, s24  }
0xa8: {  	p6 =	seq.s32 s26, $0x0  }
.Ltmp18:
0xa9: {  	_ = 	snop;
	(pc) =	sbr.rel @p6 .LBB2_19-.Ltmp18, $3  }
0xaa: {  	_ =	sdelay $0x1  }
0xab: {  	s28 =	sadd.s32 $0x3B00, s25  }
0xac: {  	[tilespmem:s28+$0x0] =	vst v1  }
.LBB2_18:
0xad: {  	s26 =	sadd.s32 $0x1, s26  }
0xae: {  	p6 =	seq.s32 s26, $0x0  }
.Ltmp19:
0xaf: {  	_ = 	snop;
	(pc) =	sbr.rel @!p6 .LBB2_18-.Ltmp19, $3  }
0xb0: {  	_ =	sdelay $0x1  }
0xb1: {  	s28 =	sadd.s32 $0x10, s28  }
0xb2: {  	[tilespmem:s28+$0x0] =	vst v1  }
.LBB2_19:
0xb3: {  	s26 =	sadd.s32 $0x1, s24  }
0xb4: {  	p6 =	seq.s32 s26, $0x0  }
.Ltmp20:
0xb5: {  	_ = 	snop;
	(pc) =	sbr.rel @p6 .LBB2_21-.Ltmp20, $3  }
0xb6: {  	_ =	sdelay $0x1  }
0xb7: {  	s28 =	sadd.s32 $0x3D00, s25  }
0xb8: {  	[tilespmem:s28+$0x0] =	vst v1  }
.LBB2_20:
0xb9: {  	s26 =	sadd.s32 $0x1, s26  }
0xba: {  	p6 =	seq.s32 s26, $0x0  }
.Ltmp21:
0xbb: {  	_ = 	snop;
	(pc) =	sbr.rel @!p6 .LBB2_20-.Ltmp21, $3  }
0xbc: {  	_ =	sdelay $0x1  }
0xbd: {  	s28 =	sadd.s32 $0x10, s28  }
0xbe: {  	[tilespmem:s28+$0x0] =	vst v1  }
.LBB2_21:
0xbf: {  	s26 =	sadd.s32 $0x1, s24  }
0xc0: {  	p6 =	seq.s32 s26, $0x0  }
.Ltmp22:
0xc1: {  	_ = 	snop;
	(pc) =	sbr.rel @p6 .LBB2_23-.Ltmp22, $3  }
0xc2: {  	_ =	sdelay $0x1  }
0xc3: {  	s28 =	sadd.s32 $0x3F00, s25  }
0xc4: {  	[tilespmem:s28+$0x0] =	vst v1  }
.LBB2_22:
0xc5: {  	s26 =	sadd.s32 $0x1, s26  }
0xc6: {  	p6 =	seq.s32 s26, $0x0  }
.Ltmp23:
0xc7: {  	_ = 	snop;
	(pc) =	sbr.rel @!p6 .LBB2_22-.Ltmp23, $3  }
0xc8: {  	_ =	sdelay $0x1  }
0xc9: {  	s28 =	sadd.s32 $0x10, s28  }
0xca: {  	[tilespmem:s28+$0x0] =	vst v1  }
.LBB2_23:
0xcb: {  	s26 =	sadd.s32 $0x1, s24  }
0xcc: {  	p6 =	seq.s32 s26, $0x0  }
.Ltmp24:
0xcd: {  	_ = 	snop;
	(pc) =	sbr.rel @p6 .LBB2_25-.Ltmp24, $3  }
0xce: {  	_ =	sdelay $0x1  }
0xcf: {  	s28 =	sadd.s32 $0x4100, s25  }
0xd0: {  	[tilespmem:s28+$0x0] =	vst v1  }
.LBB2_24:
0xd1: {  	s26 =	sadd.s32 $0x1, s26  }
0xd2: {  	p6 =	seq.s32 s26, $0x0  }
.Ltmp25:
0xd3: {  	_ = 	snop;
	(pc) =	sbr.rel @!p6 .LBB2_24-.Ltmp25, $3  }
0xd4: {  	_ =	sdelay $0x1  }
0xd5: {  	s28 =	sadd.s32 $0x10, s28  }
0xd6: {  	[tilespmem:s28+$0x0] =	vst v1  }
.LBB2_25:
0xd7: {  	s26 =	sadd.s32 $0x1, s24  }
0xd8: {  	p6 =	seq.s32 s26, $0x0  }
.Ltmp26:
0xd9: {  	_ = 	snop;
	(pc) =	sbr.rel @p6 .LBB2_27-.Ltmp26, $3  }
0xda: {  	_ =	sdelay $0x1  }
0xdb: {  	s28 =	sadd.s32 $0x4300, s25  }
0xdc: {  	[tilespmem:s28+$0x0] =	vst v1  }
.LBB2_26:
0xdd: {  	s26 =	sadd.s32 $0x1, s26  }
0xde: {  	p6 =	seq.s32 s26, $0x0  }
.Ltmp27:
0xdf: {  	_ = 	snop;
	(pc) =	sbr.rel @!p6 .LBB2_26-.Ltmp27, $3  }
0xe0: {  	_ =	sdelay $0x1  }
0xe1: {  	s28 =	sadd.s32 $0x10, s28  }
0xe2: {  	[tilespmem:s28+$0x0] =	vst v1  }
.LBB2_27:
0xe3: {  	s26 =	sadd.s32 $0x1, s24  }
0xe4: {  	p6 =	seq.s32 s26, $0x0  }
.Ltmp28:
0xe5: {  	_ = 	snop;
	(pc) =	sbr.rel @p6 .LBB2_29-.Ltmp28, $3  }
0xe6: {  	_ =	sdelay $0x1  }
0xe7: {  	s28 =	sadd.s32 $0x4500, s25  }
0xe8: {  	[tilespmem:s28+$0x0] =	vst v1  }
.LBB2_28:
0xe9: {  	s26 =	sadd.s32 $0x1, s26  }
0xea: {  	p6 =	seq.s32 s26, $0x0  }
.Ltmp29:
0xeb: {  	_ = 	snop;
	(pc) =	sbr.rel @!p6 .LBB2_28-.Ltmp29, $3  }
0xec: {  	_ =	sdelay $0x1  }
0xed: {  	s28 =	sadd.s32 $0x10, s28  }
0xee: {  	[tilespmem:s28+$0x0] =	vst v1  }
.LBB2_29:
0xef: {  	s26 =	sadd.s32 $0x1, s24  }
0xf0: {  	p6 =	seq.s32 s26, $0x0  }
.Ltmp30:
0xf1: {  	_ = 	snop;
	(pc) =	sbr.rel @p6 .LBB2_31-.Ltmp30, $3  }
0xf2: {  	_ =	sdelay $0x1  }
0xf3: {  	s28 =	sadd.s32 $0x4700, s25  }
0xf4: {  	[tilespmem:s28+$0x0] =	vst v1  }
.LBB2_30:
0xf5: {  	s26 =	sadd.s32 $0x1, s26  }
0xf6: {  	p6 =	seq.s32 s26, $0x0  }
.Ltmp31:
0xf7: {  	_ = 	snop;
	(pc) =	sbr.rel @!p6 .LBB2_30-.Ltmp31, $3  }
0xf8: {  	_ =	sdelay $0x1  }
0xf9: {  	s28 =	sadd.s32 $0x10, s28  }
0xfa: {  	[tilespmem:s28+$0x0] =	vst v1  }
.LBB2_31:
0xfb: {  	s26 =	sadd.s32 $0x1, s24  }
0xfc: {  	p6 =	seq.s32 s26, $0x0  }
.Ltmp32:
0xfd: {  	_ = 	snop;
	(pc) =	sbr.rel @p6 .LBB2_33-.Ltmp32, $3  }
0xfe: {  	_ =	sdelay $0x1  }
0xff: {  	s28 =	sadd.s32 $0x4900, s25  }
0x100: {  	[tilespmem:s28+$0x0] =	vst v1  }
.LBB2_32:
0x101: {  	s26 =	sadd.s32 $0x1, s26  }
0x102: {  	p6 =	seq.s32 s26, $0x0  }
.Ltmp33:
0x103: {  	_ = 	snop;
	(pc) =	sbr.rel @!p6 .LBB2_32-.Ltmp33, $3  }
0x104: {  	_ =	sdelay $0x1  }
0x105: {  	s28 =	sadd.s32 $0x10, s28  }
0x106: {  	[tilespmem:s28+$0x0] =	vst v1  }
.LBB2_33:
0x107: {  	s26 =	sadd.s32 $0x1, s24  }
0x108: {  	p6 =	seq.s32 s26, $0x0  }
.Ltmp34:
0x109: {  	_ = 	snop;
	(pc) =	sbr.rel @p6 .LBB2_35-.Ltmp34, $3  }
0x10a: {  	_ =	sdelay $0x1  }
0x10b: {  	s28 =	sadd.s32 $0x4B00, s25  }
0x10c: {  	[tilespmem:s28+$0x0] =	vst v1  }
.LBB2_34:
0x10d: {  	s26 =	sadd.s32 $0x1, s26  }
0x10e: {  	p6 =	seq.s32 s26, $0x0  }
.Ltmp35:
0x10f: {  	_ = 	snop;
	(pc) =	sbr.rel @!p6 .LBB2_34-.Ltmp35, $3  }
0x110: {  	_ =	sdelay $0x1  }
0x111: {  	s28 =	sadd.s32 $0x10, s28  }
0x112: {  	[tilespmem:s28+$0x0] =	vst v1  }
.LBB2_35:
0x113: {  	s26 =	sadd.s32 $0x1, s24  }
0x114: {  	p6 =	seq.s32 s26, $0x0  }
.Ltmp36:
0x115: {  	_ = 	snop;
	(pc) =	sbr.rel @p6 .LBB2_37-.Ltmp36, $3  }
0x116: {  	_ =	sdelay $0x1  }
0x117: {  	s28 =	sadd.s32 $0x4D00, s25  }
0x118: {  	[tilespmem:s28+$0x0] =	vst v1  }
.LBB2_36:
0x119: {  	s26 =	sadd.s32 $0x1, s26  }
0x11a: {  	p6 =	seq.s32 s26, $0x0  }
.Ltmp37:
0x11b: {  	_ = 	snop;
	(pc) =	sbr.rel @!p6 .LBB2_36-.Ltmp37, $3  }
0x11c: {  	_ =	sdelay $0x1  }
0x11d: {  	s28 =	sadd.s32 $0x10, s28  }
0x11e: {  	[tilespmem:s28+$0x0] =	vst v1  }
.LBB2_37:
0x11f: {  	s24 =	sadd.s32 $0x1, s24  }
0x120: {  	p6 =	seq.s32 s24, $0x0  }
.Ltmp38:
0x121: {  	_ = 	snop;
	(pc) =	sbr.rel @p6 .LBB2_39-.Ltmp38, $3  }
0x122: {  	_ =	sdelay $0x1  }
0x123: {  	s25 =	sadd.s32 $0x4F00, s25  }
0x124: {  	[tilespmem:s25+$0x0] =	vst v1  }
.LBB2_38:
0x125: {  	s24 =	sadd.s32 $0x1, s24  }
0x126: {  	p6 =	seq.s32 s24, $0x0  }
.Ltmp39:
0x127: {  	_ = 	snop;
	(pc) =	sbr.rel @!p6 .LBB2_38-.Ltmp39, $3  }
0x128: {  	_ =	sdelay $0x1  }
0x129: {  	s25 =	sadd.s32 $0x10, s25  }
0x12a: {  	[tilespmem:s25+$0x0] =	vst v1  }
.LBB2_39:
.Ltmp40:
0x12b: {  	(pc) =	sbr.rel @p2 .LBB2_42-.Ltmp40, $1  }
0x12c: {  	_ =	sdelay $0x3  }
0x12d: {  	s24 =	simm.s32 $0xFFFFFFFC;
	s25 =	simm.s32 $0x18A0;
	s26 =	simm.s32 $0x20  }
.LBB2_41:
0x12e: {  	v4 =	vld [tilespmem:s25+$0xFFFFFFE0];
	_ =	sdelay $0x4  }
0x12f: {  	v5 =	vld [tilespmem:s26+$0xFFFFFFE0];
	v4 =	vadd.s32 v2, v4;
	_ =	sdelay $0x4  }
0x130: {  	[tilespmem:v4+s14+$0x0] =	vst.idx.add.f32.msk $0xffff, v5  }
0x131: {  	v4 =	vld [tilespmem:s25+$0xFFFFFFF0];
	_ =	sdelay $0x4  }
0x132: {  	v5 =	vld [tilespmem:s26+$0xFFFFFFF0];
	v4 =	vadd.s32 v2, v4;
	_ =	sdelay $0x4  }
0x133: {  	[tilespmem:v4+s14+$0x0] =	vst.idx.add.f32.msk $0xffff, v5  }
0x134: {  	v4 =	vld [tilespmem:s25+$0x0];
	_ =	sdelay $0x4  }
0x135: {  	v5 =	vld [tilespmem:s26+$0x0];
	v4 =	vadd.s32 v2, v4;
	_ =	sdelay $0x4  }
0x136: {  	[tilespmem:v4+s14+$0x0] =	vst.idx.add.f32.msk $0xffff, v5  }
0x137: {  	v4 =	vld [tilespmem:s25+$0x10];
	_ =	sdelay $0x3  }
0x138: {  	s24 =	sadd.s32 $0x4, s24  }
0x139: {  	p6 =	slt.u32 s24, $0x184;
	v5 =	vld [tilespmem:s26+$0x10];
	v4 =	vadd.s32 v2, v4  }
.Ltmp41:
0x13a: {  	_ = 	snop;
	(pc) =	sbr.rel @p6 .LBB2_41-.Ltmp41, $2  }
0x13b: {  	_ =	sdelay $0x2  }
0x13c: {  	s25 =	sadd.s32 $0x40, s25;
	s26 =	sadd.s32 $0x40, s26;
	[tilespmem:v4+s14+$0x0] =	vst.idx.add.f32.msk $0xffff, v5  }
.LBB2_42:
.Ltmp42:
0x13d: {  	(pc) =	sbr.rel @!p1 .LBB2_45-.Ltmp42, $1  }
0x13e: {  	_ =	sdelay $0x3  }
0x13f: {  	s24 =	simm.s32 $0xFFFFFFFE;
	s25 =	simm.s32 $0x1890;
	s26 =	simm.s32 $0x10  }
.LBB2_44:
0x140: {  	v4 =	vld [tilespmem:s25+$0xFFFFFFF0];
	_ =	sdelay $0x4  }
0x141: {  	v5 =	vld [tilespmem:s26+$0xFFFFFFF0];
	v4 =	vadd.s32 v2, v4;
	_ =	sdelay $0x4  }
0x142: {  	[tilespmem:v4+s14+$0x0] =	vst.idx.add.f32.msk $0xffff, v5  }
0x143: {  	v4 =	vld [tilespmem:s25+$0x0];
	_ =	sdelay $0x3  }
0x144: {  	s24 =	sadd.s32 $0x2, s24  }
0x145: {  	p1 =	slt.u32 s24, $0x170;
	v5 =	vld [tilespmem:s26+$0x0];
	v4 =	vadd.s32 v2, v4  }
.Ltmp43:
0x146: {  	_ = 	snop;
	(pc) =	sbr.rel @p1 .LBB2_44-.Ltmp43, $2  }
0x147: {  	_ =	sdelay $0x2  }
0x148: {  	s25 =	sadd.s32 $0x20, s25;
	s26 =	sadd.s32 $0x20, s26;
	[tilespmem:v4+s14+$0x0] =	vst.idx.add.f32.msk $0xffff, v5  }
.LBB2_45:
.Ltmp44:
0x149: {  	(pc) =	sbr.rel @p5 .LBB2_52-.Ltmp44, $1  }
0x14a: {  	_ =	sdelay $0x3  }
0x14b: {  	s24 =	simm.s32 $0xFFFFFFFF  }
0x14c: {  	s24 =	simm.s32 @!p4 $0x0  }
0x14d: {  	s22 =	sadd.s32 s24, s22  }
0x14e: {  	s20 =	ssub.s32 s22, s20  }
0x14f: {  	s20 =	ssub.s32 s20, s23  }
0x150: {  	s30 =	sadd.s32 $0x1, s20  }
0x151: {  	p4 =	sne.s32 s30, $0x1  }
.Ltmp45:
0x152: {  	_ = 	snop;
	(pc) =	sbr.rel @!p4 .LBB2_47-.Ltmp45, $4  }
0x153: {  	s21 =	sshll.u32 s21, $0x6  }
0x154: {  	s31 =	sshra.s32 s21, $0x2  }
0x155: {  	s21 =	sadd.s32 $0x4100, s31  }
0x156: {  	p1 =	por $0x0, $0x0;
	v4 =	vld [tilespmem:s21+$0xFFFFF000];
	s20 =	sadd.s32 $0x5100, s31;
	s22 =	sadd.s32 $0xFFFFFFFF, s30  }
0x157: {  	_ = 	snop  }
0x158: {  	v5 =	vld [tilespmem:s21+$0xFFFFF200];
	_ =	sdelay $0x1  }
0x159: {  	v6 =	vld [tilespmem:s21+$0xFFFFF400]  }
0x15a: {  	v4 =	vadd.f32 $0.0e+00, v4  }
0x15b: {  	v7 =	vld [tilespmem:s21+$0xFFFFF600]  }
0x15c: {  	v4 =	vadd.f32 v5, v4  }
0x15d: {  	v5 =	vld [tilespmem:s21+$0xFFFFF800]  }
0x15e: {  	v4 =	vadd.f32 v6, v4  }
0x15f: {  	v6 =	vld [tilespmem:s21+$0xFFFFFA00]  }
0x160: {  	v4 =	vadd.f32 v7, v4  }
0x161: {  	v7 =	vld [tilespmem:s21+$0xFFFFFC00]  }
0x162: {  	v4 =	vadd.f32 v5, v4  }
0x163: {  	v5 =	vld [tilespmem:s21+$0xFFFFFE00]  }
0x164: {  	v4 =	vadd.f32 v6, v4  }
0x165: {  	v6 =	vld [tilespmem:s21+$0x0]  }
0x166: {  	v4 =	vadd.f32 v7, v4  }
0x167: {  	v7 =	vld [tilespmem:s21+$0x200]  }
0x168: {  	v4 =	vadd.f32 v5, v4  }
0x169: {  	v5 =	vld [tilespmem:s21+$0x400]  }
0x16a: {  	v4 =	vadd.f32 v6, v4  }
0x16b: {  	v6 =	vld [tilespmem:s21+$0x600]  }
0x16c: {  	v4 =	vadd.f32 v7, v4  }
0x16d: {  	v7 =	vld [tilespmem:s21+$0x800]  }
0x16e: {  	v4 =	vadd.f32 v5, v4  }
0x16f: {  	v5 =	vld [tilespmem:s21+$0xA00]  }
0x170: {  	v4 =	vadd.f32 v6, v4  }
0x171: {  	v6 =	vld [tilespmem:s21+$0xC00]  }
0x172: {  	v4 =	vadd.f32 v7, v4  }
0x173: {  	v7 =	vld [tilespmem:s21+$0xE00]  }
0x174: {  	v4 =	vadd.f32 v5, v4;
	_ =	sdelay $0x1  }
0x175: {  	p4 =	sne.s32 s22, $0x1;
	v4 =	vadd.f32 v6, v4  }
.Ltmp46:
0x176: {  	_ = 	snop;
	(pc) =	sbr.rel @!p4 .LBB2_49-.Ltmp46, $3  }
0x177: {  	v4 =	vadd.f32 v7, v4;
	_ =	sdelay $0x1  }
0x178: {  	s21 =	sadd.s32 $0x10, s21;
	[tilespmem:s20+$0x0] =	vst v4  }
0x179: {  	s23 =	sadd.s32 $0xFFFFFFFF, s22;
	p1 =	por $0x1, $0x1;
	s22 =	smov.u32 s20;
	v4 =	vld [tilespmem:s21+$0xFFFFF000]  }
.LBB2_50:
0x17a: {  	p4 =	sne.s32 s23, $0x1  }
0x17b: {  	v5 =	vld [tilespmem:s21+$0xFFFFF200];
	_ =	sdelay $0x1  }
0x17c: {  	v6 =	vld [tilespmem:s21+$0xFFFFF400]  }
0x17d: {  	v4 =	vadd.f32 $0.0e+00, v4  }
0x17e: {  	v7 =	vld [tilespmem:s21+$0xFFFFF600]  }
0x17f: {  	v4 =	vadd.f32 v5, v4  }
0x180: {  	v5 =	vld [tilespmem:s21+$0xFFFFF800]  }
0x181: {  	v4 =	vadd.f32 v6, v4  }
0x182: {  	v6 =	vld [tilespmem:s21+$0xFFFFFA00]  }
0x183: {  	v4 =	vadd.f32 v7, v4  }
0x184: {  	v7 =	vld [tilespmem:s21+$0xFFFFFC00]  }
0x185: {  	v4 =	vadd.f32 v5, v4  }
0x186: {  	v5 =	vld [tilespmem:s21+$0xFFFFFE00]  }
0x187: {  	v4 =	vadd.f32 v6, v4  }
0x188: {  	v6 =	vld [tilespmem:s21+$0x0]  }
0x189: {  	v4 =	vadd.f32 v7, v4  }
0x18a: {  	v7 =	vld [tilespmem:s21+$0x200]  }
0x18b: {  	v4 =	vadd.f32 v5, v4  }
0x18c: {  	v5 =	vld [tilespmem:s21+$0x400]  }
0x18d: {  	v4 =	vadd.f32 v6, v4  }
0x18e: {  	v6 =	vld [tilespmem:s21+$0x600]  }
0x18f: {  	v4 =	vadd.f32 v7, v4  }
0x190: {  	v7 =	vld [tilespmem:s21+$0x800]  }
0x191: {  	v4 =	vadd.f32 v5, v4  }
0x192: {  	v5 =	vld [tilespmem:s21+$0xA00]  }
0x193: {  	v4 =	vadd.f32 v6, v4  }
0x194: {  	v6 =	vld [tilespmem:s21+$0xC00]  }
0x195: {  	v4 =	vadd.f32 v7, v4  }
0x196: {  	v7 =	vld [tilespmem:s21+$0xE00]  }
0x197: {  	v4 =	vadd.f32 v5, v4;
	_ =	sdelay $0x1  }
0x198: {  	v4 =	vadd.f32 v6, v4  }
.Ltmp47:
0x199: {  	(pc) =	sbr.rel @p4 .LBB2_50-.Ltmp47, $4  }
0x19a: {  	v4 =	vadd.f32 v7, v4  }
0x19b: {  	s22 =	sadd.s32 $0x10, s22  }
0x19c: {  	s21 =	sadd.s32 $0x10, s21;
	[tilespmem:s22+$0x0] =	vst v4  }
0x19d: {  	s23 =	sadd.s32 $0xFFFFFFFF, s23;
	v4 =	vld [tilespmem:s21+$0xFFFFF000]  }
.LBB2_51:
0x19e: {  	_ = 	snop  }
0x19f: {  	v5 =	vld [tilespmem:s21+$0xFFFFF200];
	_ =	sdelay $0x1  }
0x1a0: {  	v6 =	vld [tilespmem:s21+$0xFFFFF400]  }
0x1a1: {  	v4 =	vadd.f32 $0.0e+00, v4  }
0x1a2: {  	v7 =	vld [tilespmem:s21+$0xFFFFF600]  }
0x1a3: {  	v4 =	vadd.f32 v5, v4  }
0x1a4: {  	v5 =	vld [tilespmem:s21+$0xFFFFF800]  }
0x1a5: {  	v4 =	vadd.f32 v6, v4  }
0x1a6: {  	v56 =	vld [tilespmem:s21+$0xFFFFFA00]  }
0x1a7: {  	v4 =	vadd.f32 v7, v4  }
0x1a8: {  	v57 =	vld [tilespmem:s21+$0xFFFFFC00]  }
0x1a9: {  	v4 =	vadd.f32 v5, v4  }
0x1aa: {  	v5 =	vld [tilespmem:s21+$0xFFFFFE00]  }
0x1ab: {  	v4 =	vadd.f32 v56, v4  }
0x1ac: {  	v58 =	vld [tilespmem:s21+$0x0]  }
0x1ad: {  	v4 =	vadd.f32 v57, v4  }
0x1ae: {  	v59 =	vld [tilespmem:s21+$0x200]  }
0x1af: {  	v4 =	vadd.f32 v5, v4  }
0x1b0: {  	v5 =	vld [tilespmem:s21+$0x400]  }
0x1b1: {  	v4 =	vadd.f32 v58, v4  }
0x1b2: {  	v60 =	vld [tilespmem:s21+$0x600]  }
0x1b3: {  	v4 =	vadd.f32 v59, v4  }
0x1b4: {  	v61 =	vld [tilespmem:s21+$0x800]  }
0x1b5: {  	v4 =	vadd.f32 v5, v4  }
0x1b6: {  	v5 =	vld [tilespmem:s21+$0xA00]  }
0x1b7: {  	v4 =	vadd.f32 v60, v4  }
0x1b8: {  	v62 =	vld [tilespmem:s21+$0xC00]  }
0x1b9: {  	v4 =	vadd.f32 v61, v4  }
0x1ba: {  	v63 =	vld [tilespmem:s21+$0xE00]  }
0x1bb: {  	v4 =	vadd.f32 v5, v4;
	_ =	sdelay $0x1  }
0x1bc: {  	v4 =	vadd.f32 v62, v4;
	_ =	sdelay $0x1  }
0x1bd: {  	s21 =	sadd.s32 @p1 $0x10, s22;
	v4 =	vadd.f32 v63, v4  }
0x1be: {  	s20 =	smov.u32 @p1 s21  }
0x1bf: {  	[tilespmem:s20+$0x0] =	vst v4  }
.LBB2_52:
0x1c0: {  	s20 =	sld [smem:$0x7FD];
	_ =	sdelay $0x2  }
0x1c1: {  	p1 =	seq.s32 s20, $0x1  }
.Ltmp48:
0x1c2: {  	_ = 	snop;
	(pc) =	sbr.rel @!p1 .LBB2_53-.Ltmp48, $3  }
0x1c3: {  	_ =	sdelay $0x1  }
0x1c4: {  	[tilespmem:$0x5300] =	vst v0  }
0x1c5: {  	[tilespmem:$0x5310] =	vst v3  }
0x1c6: {  	[bflag:$0x0] =	sbarrier.arrive $0xFFFF  }
0x1c7: {  	s20 =	sld [smem:$0x7FC];
	_ =	sdelay $0x2  }
0x1c8: {  	p1 =	seq.s32 s20, $0x1  }
.Ltmp49:
0x1c9: {  	_ = 	snop;
	(pc) =	sbr.rel @p1 .LBB2_57-.Ltmp49, $1  }
0x1ca: {  	_ =	sdelay $0x3  }
.Ltmp50:
0x1cb: {  	(pc) =	sbr.rel .LBB2_56-.Ltmp50, $4  }
0x1cc: {  	[spmem:s2] =	stream.indirect.scatter.add.f32 [tilespmem:s15], [sflag:$0x3], $0x10, s18, s17, $0xb8;
	[tilespmem:$0x5340] =	vst v63  }
0x1cd: {  	_ =	swait.ge [sflag:s16], $0x200  }
0x1ce: {  	[sflag:s16] =	ssyncset.done $0x0  }
0x1cf: {  	[sflag:s16] =	ssyncadd.s32 $0xFFFFFE00  }
.LBB2_53:
0x1d0: {  	[spmem:s2] =	stream.linear.scatter [tilespmem:s15], [sflag:$0x3], $0x200, $0x38;
	[tilespmem:$0x5340] =	vst v63  }
0x1d1: {  	_ =	swait.ge [sflag:s16], $0x200  }
0x1d2: {  	[sflag:s16] =	ssyncset.done $0x0  }
0x1d3: {  	[sflag:s16] =	ssyncadd.s32 $0xFFFFFE00  }
0x1d4: {  	[bflag:$0x0] =	sbarrier.arrive $0xFFFF  }
0x1d5: {  	s20 =	sld [smem:$0x7FA];
	_ =	sdelay $0x2  }
0x1d6: {  	p1 =	seq.s32 s20, $0x1  }
.Ltmp51:
0x1d7: {  	_ = 	snop;
	(pc) =	sbr.rel @p1 .LBB2_56-.Ltmp51, $4  }
.Ltmp52:
0x1d8: {  	_ = 	snop;
	(pc) =	sbr.rel @!p1 .LBB2_57-.Ltmp52, $4  }
0x1d9: {  	_ = 	snop  }
0x1da: {  	_ = 	snop  }
0x1db: {  	_ = 	snop  }
0x1dc: {  	_ = 	snop  }
.LBB2_47:
.Ltmp53:
0x1dd: {  	(pc) =	sbr.rel .LBB2_51-.Ltmp53, $2  }
0x1de: {  	_ =	sdelay $0x2  }
0x1df: {  	s22 =	smov.u32 s20  }
.LBB2_49:
.Ltmp54:
0x1e0: {  	(pc) =	sbr.rel .LBB2_51-.Ltmp54, $2  }
0x1e1: {  	_ =	sdelay $0x2  }
0x1e2: {  	s22 =	smov.u32 s20  }
.LBB2_58:
0x1e3: {  	_ =	sfence.sel $0x180000  }
0x1e4: {  	[bflag:$0x0] =	sbarrier.arrive $0xFFFF  }
0x1e5: {  	_ =	strace $0x90000047  }
0x1e6: {  	[bflag:$0x2] =	sbarrier.arrive $0xFFFF  }
0x1e7: {  	s1 =	sld [smem:$0x7FD];
	_ =	sdelay $0x2  }
0x1e8: {  	p0 =	seq.s32 s1, $0x1  }
0x1e9: {  	s0 =	sadd.s32 @!p0 $0x100000, s0  }
0x1ea: {  	[sflag:s0] =	ssyncadd.tile.s32 @!p0 $0x1;
	_ =	shalt  }
.Lfunc_end2:
_tile_overlayer_lowered:
.L_overlay_start_2:
0x1eb: {  	(tag) =	ssettag $0x2  }
0x1ec: {  	s0 =	rddreg [dreg:$0x0];
	s2 =	stileid.u32  }
0x1ed: {  	s1 =	rddreg [dreg:$0x1];
	p0 =	sne.s32 s2, $0x0  }
0x1ee: {  	s3 =	rddreg [dreg:$0x2];
	[bflag:$0x3] =	sbarrier.arrive $0xFFFF;
	s2 =	simm.s32 @!p0 $0x1C03  }
0x1ef: {  	[timem:s3], [sflag:s2] =	dma.local @!p0 [hbm:s0], s1  }
0x1f0: {  	s0 =	simm.s32 @!p0 $0x3  }
0x1f1: {  	_ =	swait.ge @!p0 [sflag:s0], s1  }
0x1f2: {  	s1 =	ssub.s32 @!p0 $0x0, s1;
	[sflag:s0] =	ssyncset.done @!p0 $0x0  }
0x1f3: {  	[sflag:s0] =	ssyncadd.s32 @!p0 s1  }
0x1f4: {  	[bflag:$0x3] =	sbarrier.arrive $0xFFFF  }
0x1f5: {  	_ =	shalt  }

</sc_bundles>
